<compile_context>
chip_gen: v7x
topology: tpu7x:2x2x1
jax: 0.10.2.dev20260603
libtpu: 0.0.44.dev20260713+nightly
codegen_flags: <defaults>
</compile_context>

<pallas_src>
import functools

import jax
import jax.numpy as jnp
from jax import lax
from jax.experimental import pallas as pl
from jax.experimental.pallas import tpu as pltpu
from jax.experimental.pallas import tpu_sc as plsc

_B, _D, _K, _N, _H, _M = 1024, 128, 8, 512, 512, 8192
_NK = _N * _K

_NC, _NS = 2, 16
_NW = _NC * _NS
_RPW = _B // _NW
_CH = 8
_NCHUNK = _RPW // _CH

_BBA = 128
_BBU = 256
_BBL = 256


def _nn_body(z_ref, bz_ref, out_ref):
    z = z_ref[...]
    bz = bz_ref[...]
    s = lax.dot_general(z, bz, (((1,), (1,)), ((), ())),
                        preferred_element_type=jnp.float32)
    zn = jnp.sum(z * z, axis=1, keepdims=True)
    bn = lax.dot_general(jnp.ones((1, _D), jnp.float32), bz * bz,
                         (((1,), (1,)), ((), ())),
                         preferred_element_type=jnp.float32)
    d2 = zn - 2.0 * s + bn
    mv = jnp.min(d2, axis=1, keepdims=True)
    ii = lax.broadcasted_iota(jnp.int32, d2.shape, 1)
    idx = jnp.min(jnp.where(d2 <= mv, ii, jnp.int32(_M)), axis=1)
    out_ref[...] = idx.reshape(1, 1, _BBA)


def _nn_call(z, bz):
    nblk = _B // _BBA
    return pl.pallas_call(
        _nn_body,
        grid=(nblk,),
        in_specs=[
            pl.BlockSpec((_BBA, _D), lambda i: (i, 0)),
            pl.BlockSpec((_M, _D), lambda i: (0, 0)),
        ],
        out_specs=pl.BlockSpec((1, 1, _BBA), lambda i: (i, 0, 0)),
        out_shape=jax.ShapeDtypeStruct((nblk, 1, _BBA), jnp.int32),
    )(z, bz)


def _make_sc_gather():
    mesh = plsc.VectorSubcoreMesh(core_axis_name="c", subcore_axis_name="s")

    @functools.partial(
        pl.kernel,
        out_type=jax.ShapeDtypeStruct((_B, _K, _N), jnp.float32),
        mesh=mesh,
        compiler_params=pltpu.CompilerParams(needs_layout_passes=False),
        scratch_types=[
            pltpu.VMEM((_RPW,), jnp.int32),
            pltpu.VMEM((_CH, _K, _N), jnp.float32),
            pltpu.VMEM((_CH, _K, _N), jnp.float32),
            pltpu.SemaphoreType.DMA,
            pltpu.SemaphoreType.DMA,
        ],
    )
    def gk(table_hbm, idx_hbm, out_hbm, idx_v, buf0, buf1, sem0, sem1):
        wid = lax.axis_index("s") * _NC + lax.axis_index("c")
        base = wid * _RPW
        pltpu.sync_copy(idx_hbm.at[wid], idx_v)
        bufs, sems = [buf0, buf1], [sem0, sem1]
        handles = [None, None]
        handles[0] = pltpu.async_copy(
            table_hbm.at[idx_v.at[pl.ds(0, _CH)]], buf0, sem0)
        for c in range(_NCHUNK):
            nc = c + 1
            if nc < _NCHUNK:
                handles[nc % 2] = pltpu.async_copy(
                    table_hbm.at[idx_v.at[pl.ds(nc * _CH, _CH)]],
                    bufs[nc % 2], sems[nc % 2])
            handles[c % 2].wait()
            pltpu.sync_copy(bufs[c % 2],
                            out_hbm.at[pl.ds(base + c * _CH, _CH)])

    return gk


def _u_body(z_ref, w1_ref, b1_ref, vt_ref, w2_ref, out_ref):
    z = z_ref[...]
    w1 = w1_ref[...]
    b1 = b1_ref[...]
    vt = vt_ref[...]
    w2 = w2_ref[...]
    a = lax.dot_general(z, w1, (((1,), (0,)), ((), ())),
                        preferred_element_type=jnp.float32) + b1
    th = jnp.tanh(a)
    s = 1.0 - th * th
    for k in range(_K):
        pk = lax.dot_general(vt[k:k + 1, :], w1, (((1,), (0,)), ((), ())),
                             preferred_element_type=jnp.float32)
        tk = s * pk
        uk = lax.dot_general(tk, w2, (((1,), (0,)), ((), ())),
                             preferred_element_type=jnp.float32)
        out_ref[:, k * _N:(k + 1) * _N] = uk


def _u_call(z, w1, b1, vt, w2):
    nblk = _B // _BBU
    return pl.pallas_call(
        _u_body,
        grid=(nblk,),
        in_specs=[
            pl.BlockSpec((_BBU, _D), lambda i: (i, 0)),
            pl.BlockSpec((_D, _H), lambda i: (0, 0)),
            pl.BlockSpec((1, _H), lambda i: (0, 0)),
            pl.BlockSpec((_K, _D), lambda i: (0, 0)),
            pl.BlockSpec((_H, _N), lambda i: (0, 0)),
        ],
        out_specs=pl.BlockSpec((_BBU, _NK), lambda i: (i, 0)),
        out_shape=jax.ShapeDtypeStruct((_B, _NK), jnp.float32),
    )(z, w1, b1, vt, w2)


def _loss_body(q_ref, u_ref, out_ref, acc_ref):
    i = pl.program_id(0)
    q = q_ref[...]
    u = u_ref[...]
    su = jnp.sum(u * u)
    uls = [u[:, l * _N:(l + 1) * _N] for l in range(_K)]
    qt = 0.0
    for k in range(_K):
        qk = q[:, k * _N:(k + 1) * _N]
        for l in range(_K):
            r = jnp.sum(qk * uls[l], axis=1, keepdims=True)
            qt = qt + jnp.sum(r * r)

    @pl.when(i == 0)
    def _():
        acc_ref[0] = 0.0

    acc_ref[0] += su - qt

    @pl.when(i == pl.num_programs(0) - 1)
    def _():
        out_ref[0] = acc_ref[0] / jnp.float32(_B)


def _loss_call(qcat, ucat):
    nblk = _B // _BBL
    return pl.pallas_call(
        _loss_body,
        grid=(nblk,),
        in_specs=[
            pl.BlockSpec((_BBL, _NK), lambda i: (i, 0)),
            pl.BlockSpec((_BBL, _NK), lambda i: (i, 0)),
        ],
        out_specs=pl.BlockSpec(memory_space=pltpu.SMEM),
        out_shape=jax.ShapeDtypeStruct((1,), jnp.float32),
        scratch_shapes=[pltpu.SMEM((1,), jnp.float32)],
    )(qcat, ucat)


def kernel(z_prior, V, bank_z, bank_Q, W1, b1, W2, b2):
    idx3 = _nn_call(z_prior, bank_z)
    idx = idx3.reshape(_NW, _RPW)
    table = bank_Q.transpose(0, 2, 1)
    qcat = _make_sc_gather()(table, idx).reshape(_B, _NK)
    ucat = _u_call(z_prior, W1, b1.reshape(1, _H), V.T, W2)
    loss = _loss_call(qcat, ucat)
    return loss.reshape(())

# --- scband reference (transcript-rebuilt; emitter-appended) ---
"""Pipeline reference for scband-tangent-chamfer-loss-28312424415474 (READ-ONLY COPY).

The authoritative reference and input builder live on the scoring server;
editing this copy changes nothing except your own understanding.
"""

import jax, jax.numpy as jnp
import numpy as np

B, D, K, N, H, M = 1024, 128, 8, 512, 512, 8192


def setup_inputs(seed: int = 0) -> dict:
    key = jax.random.key(seed)
    ks = jax.random.split(key, 6)
    z_prior = jax.random.normal(ks[0], (B, D), dtype=jnp.float32)
    V = jax.random.normal(ks[1], (D, K), dtype=jnp.float32)
    bank_z = jax.random.normal(ks[2], (M, D), dtype=jnp.float32)
    bank_Q_raw = jax.random.normal(ks[3], (M, N, K), dtype=jnp.float32)
    # orthonormal reference blades (as the bank would store)
    bank_Q = jnp.linalg.qr(bank_Q_raw)[0]
    W1 = jax.random.normal(ks[4], (D, H), dtype=jnp.float32) * (1.0 / np.sqrt(D))
    b1 = jnp.zeros((H,), dtype=jnp.float32)
    W2 = jax.random.normal(ks[5], (H, N), dtype=jnp.float32) * (1.0 / np.sqrt(H))
    b2 = jnp.zeros((N,), dtype=jnp.float32)
    return {"z_prior": z_prior, "V": V, "bank_z": bank_z, "bank_Q": bank_Q,
            "W1": W1, "b1": b1, "W2": W2, "b2": b2}


def reference(z_prior, V, bank_z, bank_Q, W1, b1, W2, b2):
    # decoder_fn: 2-layer MLP decoder z -> x
    def decoder(z):
        return jnp.tanh(z @ W1 + b1) @ W2 + b2

    # --- TangentReferenceBank.query_nearest (torch.no_grad -> stop_gradient) ---
    Zb = jax.lax.stop_gradient(bank_z)
    Qb = jax.lax.stop_gradient(bank_Q)
    zq = jax.lax.stop_gradient(z_prior)
    zn = jnp.sum(zq * zq, axis=1, keepdims=True)          # [B,1]
    Zn = jnp.sum(Zb * Zb, axis=1)                          # [M]
    d2 = zn - 2.0 * (zq @ Zb.T) + Zn[None, :]              # [B,M]
    dists = jnp.sqrt(jnp.clip(d2, 0.0))                    # torch.cdist p=2
    nn_idx = jnp.argmin(dists, axis=1)                     # [B]
    Q_ref = jnp.take(Qb, nn_idx, axis=0)                   # [B,N,K] gather

    # --- decoder_jvp_columns: U = J_D(z) V ---
    cols = []
    for j in range(K):
        vj = jnp.broadcast_to(V[:, j], z_prior.shape)      # [B,D]
        _, jout = jax.jvp(decoder, (z_prior,), (vj,))
        cols.append(jout)
    U = jnp.stack(cols, axis=-1)                           # [B,N,K]

    # --- RejectionLoss ---
    QtU = jnp.einsum('bnk,bnl->bkl', Q_ref, U)             # Q_ref^T U
    Proj = jnp.einsum('bnk,bkl->bnl', Q_ref, QtU)
    Rej = U - Proj
    return jnp.mean(jnp.sum(Rej ** 2, axis=(1, 2)))

if __name__ == "__main__":
    import jax
    _d = setup_inputs()
    print(jax.jit(kernel)(*tuple(_d.values())))

</pallas_src>

<mosaic_0001>
#map = affine_map<(d0, d1) -> (0, 0, 0)>
#map1 = affine_map<(d0, d1) -> (0, 0)>
module attributes {stable_mosaic.version = 14 : i64} {
  func.func @gk(%arg0: i32, %arg1: i32, %arg2: memref<8192x8x512xf32, #tpu.memory_space<hbm>>, %arg3: memref<32x32xi32, #tpu.memory_space<hbm>>, %arg4: memref<1024x8x512xf32, #tpu.memory_space<hbm>>, %arg5: memref<32xi32, #tpu.memory_space<vmem>>, %arg6: memref<8x8x512xf32, #tpu.memory_space<vmem>>, %arg7: memref<8x8x512xf32, #tpu.memory_space<vmem>>, %arg8: memref<!tpu.dma_semaphore, #tpu.memory_space<semaphore_mem>>, %arg9: memref<!tpu.dma_semaphore, #tpu.memory_space<semaphore_mem>>) attributes {dimension_semantics = [#tpu.dimension_semantics<core_parallel>, #tpu.dimension_semantics<subcore_parallel>], iteration_bounds = array<i64: 2, 16>, scalar_prefetch = 0 : i64, scratch_operands = 5 : i64, tpu.core_type = #tpu.core_type<sc_vector_subcore>, window_params = [{transform_indices = #map}, {transform_indices = #map1}, {transform_indices = #map}]} {
    %mul3A = arith.constant 2 : i32
    %mul3A_0 = arith.muli %arg1, %mul3A : i32
    %add3A = arith.addi %mul3A_0, %arg0 : i32
    %mul3A_1 = arith.constant 32 : i32
    %mul3A_2 = arith.muli %add3A, %mul3A_1 : i32
    "tpu.region"() ({
      %run_scoped3A = tpu.sem_alloc : memref<!tpu.dma_semaphore, #tpu.memory_space<semaphore_mem>>
      %dma_start3A_57 = arith.constant 0 : i32
      %dma_start3A_58 = tpu.memref_slice %arg3[%add3A, %dma_start3A_57] : memref<32x32xi32, #tpu.memory_space<hbm>> -> memref<1x32xi32, #tpu.memory_space<hbm>>
      %dma_start3A_59 = tpu.memref_squeeze %dma_start3A_58 : memref<1x32xi32, #tpu.memory_space<hbm>> -> memref<32xi32, #tpu.memory_space<hbm>>
      %dma_start3A_60 = arith.constant 0 : i32
      %dma_start3A_61 = tpu.memref_slice %arg3[%add3A, %dma_start3A_60] : memref<32x32xi32, #tpu.memory_space<hbm>> -> memref<1x32xi32, #tpu.memory_space<hbm>>
      %dma_start3A_62 = tpu.memref_squeeze %dma_start3A_61 : memref<1x32xi32, #tpu.memory_space<hbm>> -> memref<32xi32, #tpu.memory_space<hbm>>
      tpu.enqueue_dma source(%dma_start3A_62 : memref<32xi32, #tpu.memory_space<hbm>>) target(%arg5 : memref<32xi32, #tpu.memory_space<vmem>>) target_semaphore(%run_scoped3A : memref<!tpu.dma_semaphore, #tpu.memory_space<semaphore_mem>>)
      %dma_wait3A_63 = arith.constant 0 : i32
      %dma_wait3A_64 = tpu.memref_slice %arg3[%add3A, %dma_wait3A_63] : memref<32x32xi32, #tpu.memory_space<hbm>> -> memref<1x32xi32, #tpu.memory_space<hbm>>
      %dma_wait3A_65 = tpu.memref_squeeze %dma_wait3A_64 : memref<1x32xi32, #tpu.memory_space<hbm>> -> memref<32xi32, #tpu.memory_space<hbm>>
      %dma_wait3A_66 = arith.constant 0 : i32
      %dma_wait3A_67 = tpu.memref_slice %arg3[%add3A, %dma_wait3A_66] : memref<32x32xi32, #tpu.memory_space<hbm>> -> memref<1x32xi32, #tpu.memory_space<hbm>>
      %dma_wait3A_68 = tpu.memref_squeeze %dma_wait3A_67 : memref<1x32xi32, #tpu.memory_space<hbm>> -> memref<32xi32, #tpu.memory_space<hbm>>
      tpu.wait_dma2 semaphore(%run_scoped3A : memref<!tpu.dma_semaphore, #tpu.memory_space<semaphore_mem>>) src(%dma_wait3A_68 : memref<32xi32, #tpu.memory_space<hbm>>) dst(%arg5 : memref<32xi32, #tpu.memory_space<vmem>>)
      tpu.yield
    }) : () -> ()
    %dma_start3A = arith.constant 0 : i32
    %dma_start3A_3 = tpu.memref_slice %arg5[%dma_start3A] : memref<32xi32, #tpu.memory_space<vmem>> -> memref<8xi32, #tpu.memory_space<vmem>>
    %dma_start3A_4 = arith.constant 0 : i32
    %dma_start3A_5 = arith.constant 0 : i32
    %dma_start3A_6 = arith.constant 0 : i32
    %dma_start3A_7 = tpu.memref_slice %arg2[%dma_start3A_4, %dma_start3A_5, %dma_start3A_6] : memref<8192x8x512xf32, #tpu.memory_space<hbm>> -> memref<8192x8x512xf32, #tpu.memory_space<hbm>>
    tpu.enqueue_indirect_dma source(%dma_start3A_7 : memref<8192x8x512xf32, #tpu.memory_space<hbm>>) target(%arg6 : memref<8x8x512xf32, #tpu.memory_space<vmem>>) offsets(%dma_start3A_3 : memref<8xi32, #tpu.memory_space<vmem>>) semaphore(%arg8 : memref<!tpu.dma_semaphore, #tpu.memory_space<semaphore_mem>>)
    %dma_start3A_8 = arith.constant 8 : i32
    %dma_start3A_9 = tpu.memref_slice %arg5[%dma_start3A_8] : memref<32xi32, #tpu.memory_space<vmem>> -> memref<8xi32, #tpu.memory_space<vmem>>
    %dma_start3A_10 = arith.constant 0 : i32
    %dma_start3A_11 = arith.constant 0 : i32
    %dma_start3A_12 = arith.constant 0 : i32
    %dma_start3A_13 = tpu.memref_slice %arg2[%dma_start3A_10, %dma_start3A_11, %dma_start3A_12] : memref<8192x8x512xf32, #tpu.memory_space<hbm>> -> memref<8192x8x512xf32, #tpu.memory_space<hbm>>
    tpu.enqueue_indirect_dma source(%dma_start3A_13 : memref<8192x8x512xf32, #tpu.memory_space<hbm>>) target(%arg7 : memref<8x8x512xf32, #tpu.memory_space<vmem>>) offsets(%dma_start3A_9 : memref<8xi32, #tpu.memory_space<vmem>>) semaphore(%arg9 : memref<!tpu.dma_semaphore, #tpu.memory_space<semaphore_mem>>)
    %dma_wait3A = arith.constant 0 : i32
    %dma_wait3A_14 = tpu.memref_slice %arg5[%dma_wait3A] : memref<32xi32, #tpu.memory_space<vmem>> -> memref<8xi32, #tpu.memory_space<vmem>>
    %dma_wait3A_15 = arith.constant 0 : i32
    %dma_wait3A_16 = arith.constant 0 : i32
    %dma_wait3A_17 = arith.constant 0 : i32
    %dma_wait3A_18 = tpu.memref_slice %arg2[%dma_wait3A_15, %dma_wait3A_16, %dma_wait3A_17] : memref<8192x8x512xf32, #tpu.memory_space<hbm>> -> memref<8192x8x512xf32, #tpu.memory_space<hbm>>
    tpu.wait_indirect_dma semaphore(%arg8 : memref<!tpu.dma_semaphore, #tpu.memory_space<semaphore_mem>>) src(%dma_wait3A_18 : memref<8192x8x512xf32, #tpu.memory_space<hbm>>) dst(%arg6 : memref<8x8x512xf32, #tpu.memory_space<vmem>>)
    %add3A_19 = arith.constant 0 : i32
    %add3A_20 = arith.addi %mul3A_2, %add3A_19 : i32
    "tpu.region"() ({
      %run_scoped3A = tpu.sem_alloc : memref<!tpu.dma_semaphore, #tpu.memory_space<semaphore_mem>>
      %dma_start3A_57 = arith.constant 0 : i32
      %dma_start3A_58 = arith.constant 0 : i32
      %dma_start3A_59 = tpu.memref_slice %arg4[%add3A_20, %dma_start3A_57, %dma_start3A_58] : memref<1024x8x512xf32, #tpu.memory_space<hbm>> -> memref<8x8x512xf32, #tpu.memory_space<hbm>>
      %dma_start3A_60 = arith.constant 0 : i32
      %dma_start3A_61 = arith.constant 0 : i32
      %dma_start3A_62 = tpu.memref_slice %arg4[%add3A_20, %dma_start3A_60, %dma_start3A_61] : memref<1024x8x512xf32, #tpu.memory_space<hbm>> -> memref<8x8x512xf32, #tpu.memory_space<hbm>>
      tpu.enqueue_dma source(%arg6 : memref<8x8x512xf32, #tpu.memory_space<vmem>>) target(%dma_start3A_62 : memref<8x8x512xf32, #tpu.memory_space<hbm>>) target_semaphore(%run_scoped3A : memref<!tpu.dma_semaphore, #tpu.memory_space<semaphore_mem>>)
      %dma_wait3A_63 = arith.constant 0 : i32
      %dma_wait3A_64 = arith.constant 0 : i32
      %dma_wait3A_65 = tpu.memref_slice %arg4[%add3A_20, %dma_wait3A_63, %dma_wait3A_64] : memref<1024x8x512xf32, #tpu.memory_space<hbm>> -> memref<8x8x512xf32, #tpu.memory_space<hbm>>
      %dma_wait3A_66 = arith.constant 0 : i32
      %dma_wait3A_67 = arith.constant 0 : i32
      %dma_wait3A_68 = tpu.memref_slice %arg4[%add3A_20, %dma_wait3A_66, %dma_wait3A_67] : memref<1024x8x512xf32, #tpu.memory_space<hbm>> -> memref<8x8x512xf32, #tpu.memory_space<hbm>>
      tpu.wait_dma2 semaphore(%run_scoped3A : memref<!tpu.dma_semaphore, #tpu.memory_space<semaphore_mem>>) src(%arg6 : memref<8x8x512xf32, #tpu.memory_space<vmem>>) dst(%dma_wait3A_68 : memref<8x8x512xf32, #tpu.memory_space<hbm>>)
      tpu.yield
    }) : () -> ()
    %dma_start3A_21 = arith.constant 16 : i32
    %dma_start3A_22 = tpu.memref_slice %arg5[%dma_start3A_21] : memref<32xi32, #tpu.memory_space<vmem>> -> memref<8xi32, #tpu.memory_space<vmem>>
    %dma_start3A_23 = arith.constant 0 : i32
    %dma_start3A_24 = arith.constant 0 : i32
    %dma_start3A_25 = arith.constant 0 : i32
    %dma_start3A_26 = tpu.memref_slice %arg2[%dma_start3A_23, %dma_start3A_24, %dma_start3A_25] : memref<8192x8x512xf32, #tpu.memory_space<hbm>> -> memref<8192x8x512xf32, #tpu.memory_space<hbm>>
    tpu.enqueue_indirect_dma source(%dma_start3A_26 : memref<8192x8x512xf32, #tpu.memory_space<hbm>>) target(%arg6 : memref<8x8x512xf32, #tpu.memory_space<vmem>>) offsets(%dma_start3A_22 : memref<8xi32, #tpu.memory_space<vmem>>) semaphore(%arg8 : memref<!tpu.dma_semaphore, #tpu.memory_space<semaphore_mem>>)
    %dma_wait3A_27 = arith.constant 8 : i32
    %dma_wait3A_28 = tpu.memref_slice %arg5[%dma_wait3A_27] : memref<32xi32, #tpu.memory_space<vmem>> -> memref<8xi32, #tpu.memory_space<vmem>>
    %dma_wait3A_29 = arith.constant 0 : i32
    %dma_wait3A_30 = arith.constant 0 : i32
    %dma_wait3A_31 = arith.constant 0 : i32
    %dma_wait3A_32 = tpu.memref_slice %arg2[%dma_wait3A_29, %dma_wait3A_30, %dma_wait3A_31] : memref<8192x8x512xf32, #tpu.memory_space<hbm>> -> memref<8192x8x512xf32, #tpu.memory_space<hbm>>
    tpu.wait_indirect_dma semaphore(%arg9 : memref<!tpu.dma_semaphore, #tpu.memory_space<semaphore_mem>>) src(%dma_wait3A_32 : memref<8192x8x512xf32, #tpu.memory_space<hbm>>) dst(%arg7 : memref<8x8x512xf32, #tpu.memory_space<vmem>>)
    %add3A_33 = arith.constant 8 : i32
    %add3A_34 = arith.addi %mul3A_2, %add3A_33 : i32
    "tpu.region"() ({
      %run_scoped3A = tpu.sem_alloc : memref<!tpu.dma_semaphore, #tpu.memory_space<semaphore_mem>>
      %dma_start3A_57 = arith.constant 0 : i32
      %dma_start3A_58 = arith.constant 0 : i32
      %dma_start3A_59 = tpu.memref_slice %arg4[%add3A_34, %dma_start3A_57, %dma_start3A_58] : memref<1024x8x512xf32, #tpu.memory_space<hbm>> -> memref<8x8x512xf32, #tpu.memory_space<hbm>>
      %dma_start3A_60 = arith.constant 0 : i32
      %dma_start3A_61 = arith.constant 0 : i32
      %dma_start3A_62 = tpu.memref_slice %arg4[%add3A_34, %dma_start3A_60, %dma_start3A_61] : memref<1024x8x512xf32, #tpu.memory_space<hbm>> -> memref<8x8x512xf32, #tpu.memory_space<hbm>>
      tpu.enqueue_dma source(%arg7 : memref<8x8x512xf32, #tpu.memory_space<vmem>>) target(%dma_start3A_62 : memref<8x8x512xf32, #tpu.memory_space<hbm>>) target_semaphore(%run_scoped3A : memref<!tpu.dma_semaphore, #tpu.memory_space<semaphore_mem>>)
      %dma_wait3A_63 = arith.constant 0 : i32
      %dma_wait3A_64 = arith.constant 0 : i32
      %dma_wait3A_65 = tpu.memref_slice %arg4[%add3A_34, %dma_wait3A_63, %dma_wait3A_64] : memref<1024x8x512xf32, #tpu.memory_space<hbm>> -> memref<8x8x512xf32, #tpu.memory_space<hbm>>
      %dma_wait3A_66 = arith.constant 0 : i32
      %dma_wait3A_67 = arith.constant 0 : i32
      %dma_wait3A_68 = tpu.memref_slice %arg4[%add3A_34, %dma_wait3A_66, %dma_wait3A_67] : memref<1024x8x512xf32, #tpu.memory_space<hbm>> -> memref<8x8x512xf32, #tpu.memory_space<hbm>>
      tpu.wait_dma2 semaphore(%run_scoped3A : memref<!tpu.dma_semaphore, #tpu.memory_space<semaphore_mem>>) src(%arg7 : memref<8x8x512xf32, #tpu.memory_space<vmem>>) dst(%dma_wait3A_68 : memref<8x8x512xf32, #tpu.memory_space<hbm>>)
      tpu.yield
    }) : () -> ()
    %dma_start3A_35 = arith.constant 24 : i32
    %dma_start3A_36 = tpu.memref_slice %arg5[%dma_start3A_35] : memref<32xi32, #tpu.memory_space<vmem>> -> memref<8xi32, #tpu.memory_space<vmem>>
    %dma_start3A_37 = arith.constant 0 : i32
    %dma_start3A_38 = arith.constant 0 : i32
    %dma_start3A_39 = arith.constant 0 : i32
    %dma_start3A_40 = tpu.memref_slice %arg2[%dma_start3A_37, %dma_start3A_38, %dma_start3A_39] : memref<8192x8x512xf32, #tpu.memory_space<hbm>> -> memref<8192x8x512xf32, #tpu.memory_space<hbm>>
    tpu.enqueue_indirect_dma source(%dma_start3A_40 : memref<8192x8x512xf32, #tpu.memory_space<hbm>>) target(%arg7 : memref<8x8x512xf32, #tpu.memory_space<vmem>>) offsets(%dma_start3A_36 : memref<8xi32, #tpu.memory_space<vmem>>) semaphore(%arg9 : memref<!tpu.dma_semaphore, #tpu.memory_space<semaphore_mem>>)
    %dma_wait3A_41 = arith.constant 16 : i32
    %dma_wait3A_42 = tpu.memref_slice %arg5[%dma_wait3A_41] : memref<32xi32, #tpu.memory_space<vmem>> -> memref<8xi32, #tpu.memory_space<vmem>>
    %dma_wait3A_43 = arith.constant 0 : i32
    %dma_wait3A_44 = arith.constant 0 : i32
    %dma_wait3A_45 = arith.constant 0 : i32
    %dma_wait3A_46 = tpu.memref_slice %arg2[%dma_wait3A_43, %dma_wait3A_44, %dma_wait3A_45] : memref<8192x8x512xf32, #tpu.memory_space<hbm>> -> memref<8192x8x512xf32, #tpu.memory_space<hbm>>
    tpu.wait_indirect_dma semaphore(%arg8 : memref<!tpu.dma_semaphore, #tpu.memory_space<semaphore_mem>>) src(%dma_wait3A_46 : memref<8192x8x512xf32, #tpu.memory_space<hbm>>) dst(%arg6 : memref<8x8x512xf32, #tpu.memory_space<vmem>>)
    %add3A_47 = arith.constant 16 : i32
    %add3A_48 = arith.addi %mul3A_2, %add3A_47 : i32
    "tpu.region"() ({
      %run_scoped3A = tpu.sem_alloc : memref<!tpu.dma_semaphore, #tpu.memory_space<semaphore_mem>>
      %dma_start3A_57 = arith.constant 0 : i32
      %dma_start3A_58 = arith.constant 0 : i32
      %dma_start3A_59 = tpu.memref_slice %arg4[%add3A_48, %dma_start3A_57, %dma_start3A_58] : memref<1024x8x512xf32, #tpu.memory_space<hbm>> -> memref<8x8x512xf32, #tpu.memory_space<hbm>>
      %dma_start3A_60 = arith.constant 0 : i32
      %dma_start3A_61 = arith.constant 0 : i32
      %dma_start3A_62 = tpu.memref_slice %arg4[%add3A_48, %dma_start3A_60, %dma_start3A_61] : memref<1024x8x512xf32, #tpu.memory_space<hbm>> -> memref<8x8x512xf32, #tpu.memory_space<hbm>>
      tpu.enqueue_dma source(%arg6 : memref<8x8x512xf32, #tpu.memory_space<vmem>>) target(%dma_start3A_62 : memref<8x8x512xf32, #tpu.memory_space<hbm>>) target_semaphore(%run_scoped3A : memref<!tpu.dma_semaphore, #tpu.memory_space<semaphore_mem>>)
      %dma_wait3A_63 = arith.constant 0 : i32
      %dma_wait3A_64 = arith.constant 0 : i32
      %dma_wait3A_65 = tpu.memref_slice %arg4[%add3A_48, %dma_wait3A_63, %dma_wait3A_64] : memref<1024x8x512xf32, #tpu.memory_space<hbm>> -> memref<8x8x512xf32, #tpu.memory_space<hbm>>
      %dma_wait3A_66 = arith.constant 0 : i32
      %dma_wait3A_67 = arith.constant 0 : i32
      %dma_wait3A_68 = tpu.memref_slice %arg4[%add3A_48, %dma_wait3A_66, %dma_wait3A_67] : memref<1024x8x512xf32, #tpu.memory_space<hbm>> -> memref<8x8x512xf32, #tpu.memory_space<hbm>>
      tpu.wait_dma2 semaphore(%run_scoped3A : memref<!tpu.dma_semaphore, #tpu.memory_space<semaphore_mem>>) src(%arg6 : memref<8x8x512xf32, #tpu.memory_space<vmem>>) dst(%dma_wait3A_68 : memref<8x8x512xf32, #tpu.memory_space<hbm>>)
      tpu.yield
    }) : () -> ()
    %dma_wait3A_49 = arith.constant 24 : i32
    %dma_wait3A_50 = tpu.memref_slice %arg5[%dma_wait3A_49] : memref<32xi32, #tpu.memory_space<vmem>> -> memref<8xi32, #tpu.memory_space<vmem>>
    %dma_wait3A_51 = arith.constant 0 : i32
    %dma_wait3A_52 = arith.constant 0 : i32
    %dma_wait3A_53 = arith.constant 0 : i32
    %dma_wait3A_54 = tpu.memref_slice %arg2[%dma_wait3A_51, %dma_wait3A_52, %dma_wait3A_53] : memref<8192x8x512xf32, #tpu.memory_space<hbm>> -> memref<8192x8x512xf32, #tpu.memory_space<hbm>>
    tpu.wait_indirect_dma semaphore(%arg9 : memref<!tpu.dma_semaphore, #tpu.memory_space<semaphore_mem>>) src(%dma_wait3A_54 : memref<8192x8x512xf32, #tpu.memory_space<hbm>>) dst(%arg7 : memref<8x8x512xf32, #tpu.memory_space<vmem>>)
    %add3A_55 = arith.constant 24 : i32
    %add3A_56 = arith.addi %mul3A_2, %add3A_55 : i32
    "tpu.region"() ({
      %run_scoped3A = tpu.sem_alloc : memref<!tpu.dma_semaphore, #tpu.memory_space<semaphore_mem>>
      %dma_start3A_57 = arith.constant 0 : i32
      %dma_start3A_58 = arith.constant 0 : i32
      %dma_start3A_59 = tpu.memref_slice %arg4[%add3A_56, %dma_start3A_57, %dma_start3A_58] : memref<1024x8x512xf32, #tpu.memory_space<hbm>> -> memref<8x8x512xf32, #tpu.memory_space<hbm>>
      %dma_start3A_60 = arith.constant 0 : i32
      %dma_start3A_61 = arith.constant 0 : i32
      %dma_start3A_62 = tpu.memref_slice %arg4[%add3A_56, %dma_start3A_60, %dma_start3A_61] : memref<1024x8x512xf32, #tpu.memory_space<hbm>> -> memref<8x8x512xf32, #tpu.memory_space<hbm>>
      tpu.enqueue_dma source(%arg7 : memref<8x8x512xf32, #tpu.memory_space<vmem>>) target(%dma_start3A_62 : memref<8x8x512xf32, #tpu.memory_space<hbm>>) target_semaphore(%run_scoped3A : memref<!tpu.dma_semaphore, #tpu.memory_space<semaphore_mem>>)
      %dma_wait3A_63 = arith.constant 0 : i32
      %dma_wait3A_64 = arith.constant 0 : i32
      %dma_wait3A_65 = tpu.memref_slice %arg4[%add3A_56, %dma_wait3A_63, %dma_wait3A_64] : memref<1024x8x512xf32, #tpu.memory_space<hbm>> -> memref<8x8x512xf32, #tpu.memory_space<hbm>>
      %dma_wait3A_66 = arith.constant 0 : i32
      %dma_wait3A_67 = arith.constant 0 : i32
      %dma_wait3A_68 = tpu.memref_slice %arg4[%add3A_56, %dma_wait3A_66, %dma_wait3A_67] : memref<1024x8x512xf32, #tpu.memory_space<hbm>> -> memref<8x8x512xf32, #tpu.memory_space<hbm>>
      tpu.wait_dma2 semaphore(%run_scoped3A : memref<!tpu.dma_semaphore, #tpu.memory_space<semaphore_mem>>) src(%arg7 : memref<8x8x512xf32, #tpu.memory_space<vmem>>) dst(%dma_wait3A_68 : memref<8x8x512xf32, #tpu.memory_space<hbm>>)
      tpu.yield
    }) : () -> ()
    return
  }
}

module attributes {stable_mosaic.version = 14 : i64} {
  func.func @_nn_body(%arg0: i32, %arg1: memref<128x128xf32, #tpu.memory_space<vmem>>, %arg2: memref<8192x128xf32, #tpu.memory_space<vmem>>, %arg3: memref<1x1x128xi32, #tpu.memory_space<vmem>>) attributes {dimension_semantics = [#tpu.dimension_semantics<arbitrary>], iteration_bounds = array<i64: 8>, scalar_prefetch = 0 : i64, scratch_operands = 0 : i64, tpu.core_type = #tpu.core_type<tc>, window_params = [{transform_indices = @transform_0, window_bounds = array<i64: 128, 128>}, {pipeline_mode = #tpu.pipeline_mode<synchronous>, transform_indices = @transform_1, window_bounds = array<i64: 8192, 128>}, {transform_indices = @transform_2, window_bounds = array<i64: 1, 1, 128>}]} {
    %get3A = arith.constant 0 : index
    %get3A_0 = arith.constant 0 : index
    %get3A_1 = vector.load %arg1[%get3A, %get3A_0] : memref<128x128xf32, #tpu.memory_space<vmem>>, vector<128x128xf32>
    %get3A_2 = arith.constant 0 : index
    %get3A_3 = arith.constant 0 : index
    %get3A_4 = vector.load %arg2[%get3A_2, %get3A_3] : memref<8192x128xf32, #tpu.memory_space<vmem>>, vector<8192x128xf32>
    %dot_general3A = arith.constant dense<0.000000e+00> : vector<128x8192xf32>
    %dot_general3A_5 = tpu.matmul %get3A_1, %get3A_4, %dot_general3A {dimension_numbers = #tpu.dot_dimension_numbers<[1], [1], [0], [0], [0, 0, 1, 0], [], []>, transpose_lhs_hint = false} : vector<128x128xf32>, vector<8192x128xf32>, vector<128x8192xf32> -> vector<128x8192xf32>
    %mul3A = arith.mulf %get3A_1, %get3A_1 : vector<128x128xf32>
    %reduce_sum3A = arith.constant dense<0.000000e+00> : vector<128xf32>
    %reduce_sum3A_6 = vector.multi_reduction <add>, %mul3A, %reduce_sum3A [1] : vector<128x128xf32> to vector<128xf32>
    %broadcast_in_dim3A = vector.shape_cast %reduce_sum3A_6 : vector<128xf32> to vector<128x1xf32>
    %broadcast_in_dim3A_7 = arith.constant 1.000000e+00 : f32
    %broadcast_in_dim3A_8 = vector.broadcast %broadcast_in_dim3A_7 : f32 to vector<1x128xf32>
    %mul3A_9 = arith.mulf %get3A_4, %get3A_4 : vector<8192x128xf32>
    %dot_general3A_10 = arith.constant dense<0.000000e+00> : vector<1x8192xf32>
    %dot_general3A_11 = tpu.matmul %broadcast_in_dim3A_8, %mul3A_9, %dot_general3A_10 {dimension_numbers = #tpu.dot_dimension_numbers<[1], [1], [0], [0], [0, 0, 1, 0], [], []>, transpose_lhs_hint = false} : vector<1x128xf32>, vector<8192x128xf32>, vector<1x8192xf32> -> vector<1x8192xf32>
    %mul3A_12 = arith.constant 2.000000e+00 : f32
    %mul3A_13 = vector.broadcast %mul3A_12 : f32 to vector<128x8192xf32>
    %mul3A_14 = arith.mulf %mul3A_13, %dot_general3A_5 : vector<128x8192xf32>
    %sub3A = vector.broadcast %broadcast_in_dim3A : vector<128x1xf32> to vector<128x8192xf32>
    %sub3A_15 = arith.subf %sub3A, %mul3A_14 : vector<128x8192xf32>
    %add3A = vector.broadcast %dot_general3A_11 : vector<1x8192xf32> to vector<128x8192xf32>
    %add3A_16 = arith.addf %sub3A_15, %add3A : vector<128x8192xf32>
    %reduce_min3A = arith.constant dense<0x7F800000> : vector<128xf32>
    %reduce_min3A_17 = vector.multi_reduction <minimumf>, %add3A_16, %reduce_min3A [1] : vector<128x8192xf32> to vector<128xf32>
    %broadcast_in_dim3A_18 = vector.shape_cast %reduce_min3A_17 : vector<128xf32> to vector<128x1xf32>
    %iota3A = tpu.iota {dimensions = array<i32: 1>} : vector<128x8192xi32>
    %le3A = vector.broadcast %broadcast_in_dim3A_18 : vector<128x1xf32> to vector<128x8192xf32>
    %le3A_19 = arith.cmpf ole, %add3A_16, %le3A : vector<128x8192xf32>
    %jit3A = arith.constant 8192 : i32
    %broadcast_in_dim3A_20 = vector.broadcast %jit3A : i32 to vector<128x8192xi32>
    %select_n3A = arith.select %le3A_19, %iota3A, %broadcast_in_dim3A_20 : vector<128x8192xi1>, vector<128x8192xi32>
    %reduce_min3A_21 = arith.constant dense<2147483647> : vector<128xi32>
    %reduce_min3A_22 = vector.multi_reduction <minsi>, %select_n3A, %reduce_min3A_21 [1] : vector<128x8192xi32> to vector<128xi32>
    %reshape3A = vector.shape_cast %reduce_min3A_22 : vector<128xi32> to vector<1x1x128xi32>
    %swap3A = arith.constant 0 : index
    %swap3A_23 = arith.constant 0 : index
    %swap3A_24 = arith.constant 0 : index
    %swap3A_25 = vector.load %arg3[%swap3A, %swap3A_23, %swap3A_24] : memref<1x1x128xi32, #tpu.memory_space<vmem>>, vector<1x1x128xi32>
    tpu.vector_store %arg3[%swap3A, %swap3A_23, %swap3A_24], %reshape3A {strides = array<i32>} : memref<1x1x128xi32, #tpu.memory_space<vmem>>, vector<1x1x128xi32>,
    return
  }
  func.func @transform_0(%arg0: i32) -> (i32, i32) {
    %c0_i32 = arith.constant 0 : i32
    %c0_i32_0 = arith.constant 0 : i32
    return %arg0, %c0_i32 : i32, i32
  }
  func.func @transform_1(%arg0: i32) -> (i32, i32) {
    %c0_i32 = arith.constant 0 : i32
    %c0_i32_0 = arith.constant 0 : i32
    %c0_i32_1 = arith.constant 0 : i32
    return %c0_i32, %c0_i32_0 : i32, i32
  }
  func.func @transform_2(%arg0: i32) -> (i32, i32, i32) {
    %c0_i32 = arith.constant 0 : i32
    %c0_i32_0 = arith.constant 0 : i32
    %c0_i32_1 = arith.constant 0 : i32
    return %arg0, %c0_i32, %c0_i32_0 : i32, i32, i32
  }
}

module attributes {stable_mosaic.version = 14 : i64} {
  func.func @_loss_body(%arg0: i32, %arg1: memref<256x4096xf32, #tpu.memory_space<vmem>>, %arg2: memref<256x4096xf32, #tpu.memory_space<vmem>>, %arg3: memref<1xf32, #tpu.memory_space<smem>>, %arg4: memref<1xf32, #tpu.memory_space<smem>>) attributes {dimension_semantics = [#tpu.dimension_semantics<arbitrary>], iteration_bounds = array<i64: 4>, scalar_prefetch = 0 : i64, scratch_operands = 1 : i64, tpu.core_type = #tpu.core_type<tc>, window_params = [{transform_indices = @transform_0, window_bounds = array<i64: 256, 4096>}, {transform_indices = @transform_1, window_bounds = array<i64: 256, 4096>}, {transform_indices = @transform_2, window_bounds = array<i64: 1>}]} {
    %get3A = arith.constant 0 : index
    %get3A_0 = arith.constant 0 : index
    %get3A_1 = vector.load %arg1[%get3A, %get3A_0] : memref<256x4096xf32, #tpu.memory_space<vmem>>, vector<256x4096xf32>
    %get3A_2 = arith.constant 0 : index
    %get3A_3 = arith.constant 0 : index
    %get3A_4 = vector.load %arg2[%get3A_2, %get3A_3] : memref<256x4096xf32, #tpu.memory_space<vmem>>, vector<256x4096xf32>
    %mul3A = arith.mulf %get3A_4, %get3A_4 : vector<256x4096xf32>
    %reduce_sum3A = vector.shape_cast %mul3A : vector<256x4096xf32> to vector<1x256x4096xf32>
    %reduce_sum3A_5 = arith.constant dense<0.000000e+00> : vector<1xf32>
    %reduce_sum3A_6 = vector.multi_reduction <add>, %reduce_sum3A, %reduce_sum3A_5 [1, 2] : vector<1x256x4096xf32> to vector<1xf32>
    %reduce_sum3A_7 = vector.shape_cast %reduce_sum3A_6 : vector<1xf32> to vector<1x1x1xf32>
    %reduce_sum3A_8 = vector.extract %reduce_sum3A_7[0, 0, 0] : f32 from vector<1x1x1xf32>
    %slice3A = vector.extract_strided_slice %get3A_4 {offsets = [0, 0], sizes = [256, 512], strides = [1, 1]} : vector<256x4096xf32> to vector<256x512xf32>
    %slice3A_9 = vector.extract_strided_slice %get3A_4 {offsets = [0, 512], sizes = [256, 512], strides = [1, 1]} : vector<256x4096xf32> to vector<256x512xf32>
    %slice3A_10 = vector.extract_strided_slice %get3A_4 {offsets = [0, 1024], sizes = [256, 512], strides = [1, 1]} : vector<256x4096xf32> to vector<256x512xf32>
    %slice3A_11 = vector.extract_strided_slice %get3A_4 {offsets = [0, 1536], sizes = [256, 512], strides = [1, 1]} : vector<256x4096xf32> to vector<256x512xf32>
    %slice3A_12 = vector.extract_strided_slice %get3A_4 {offsets = [0, 2048], sizes = [256, 512], strides = [1, 1]} : vector<256x4096xf32> to vector<256x512xf32>
    %slice3A_13 = vector.extract_strided_slice %get3A_4 {offsets = [0, 2560], sizes = [256, 512], strides = [1, 1]} : vector<256x4096xf32> to vector<256x512xf32>
    %slice3A_14 = vector.extract_strided_slice %get3A_4 {offsets = [0, 3072], sizes = [256, 512], strides = [1, 1]} : vector<256x4096xf32> to vector<256x512xf32>
    %slice3A_15 = vector.extract_strided_slice %get3A_4 {offsets = [0, 3584], sizes = [256, 512], strides = [1, 1]} : vector<256x4096xf32> to vector<256x512xf32>
    %slice3A_16 = vector.extract_strided_slice %get3A_1 {offsets = [0, 0], sizes = [256, 512], strides = [1, 1]} : vector<256x4096xf32> to vector<256x512xf32>
    %mul3A_17 = arith.mulf %slice3A_16, %slice3A : vector<256x512xf32>
    %reduce_sum3A_18 = arith.constant dense<0.000000e+00> : vector<256xf32>
    %reduce_sum3A_19 = vector.multi_reduction <add>, %mul3A_17, %reduce_sum3A_18 [1] : vector<256x512xf32> to vector<256xf32>
    %broadcast_in_dim3A = vector.shape_cast %reduce_sum3A_19 : vector<256xf32> to vector<256x1xf32>
    %mul3A_20 = arith.mulf %broadcast_in_dim3A, %broadcast_in_dim3A : vector<256x1xf32>
    %reduce_sum3A_21 = vector.shape_cast %mul3A_20 : vector<256x1xf32> to vector<1x256x1xf32>
    %reduce_sum3A_22 = arith.constant dense<0.000000e+00> : vector<1xf32>
    %reduce_sum3A_23 = vector.multi_reduction <add>, %reduce_sum3A_21, %reduce_sum3A_22 [1, 2] : vector<1x256x1xf32> to vector<1xf32>
    %reduce_sum3A_24 = vector.shape_cast %reduce_sum3A_23 : vector<1xf32> to vector<1x1x1xf32>
    %reduce_sum3A_25 = vector.extract %reduce_sum3A_24[0, 0, 0] : f32 from vector<1x1x1xf32>
    %add3A = arith.constant 0.000000e+00 : f32
    %add3A_26 = arith.addf %add3A, %reduce_sum3A_25 : f32
    %mul3A_27 = arith.mulf %slice3A_16, %slice3A_9 : vector<256x512xf32>
    %reduce_sum3A_28 = arith.constant dense<0.000000e+00> : vector<256xf32>
    %reduce_sum3A_29 = vector.multi_reduction <add>, %mul3A_27, %reduce_sum3A_28 [1] : vector<256x512xf32> to vector<256xf32>
    %broadcast_in_dim3A_30 = vector.shape_cast %reduce_sum3A_29 : vector<256xf32> to vector<256x1xf32>
    %mul3A_31 = arith.mulf %broadcast_in_dim3A_30, %broadcast_in_dim3A_30 : vector<256x1xf32>
    %reduce_sum3A_32 = vector.shape_cast %mul3A_31 : vector<256x1xf32> to vector<1x256x1xf32>
    %reduce_sum3A_33 = arith.constant dense<0.000000e+00> : vector<1xf32>
    %reduce_sum3A_34 = vector.multi_reduction <add>, %reduce_sum3A_32, %reduce_sum3A_33 [1, 2] : vector<1x256x1xf32> to vector<1xf32>
    %reduce_sum3A_35 = vector.shape_cast %reduce_sum3A_34 : vector<1xf32> to vector<1x1x1xf32>
    %reduce_sum3A_36 = vector.extract %reduce_sum3A_35[0, 0, 0] : f32 from vector<1x1x1xf32>
    %add3A_37 = arith.addf %add3A_26, %reduce_sum3A_36 : f32
    %mul3A_38 = arith.mulf %slice3A_16, %slice3A_10 : vector<256x512xf32>
    %reduce_sum3A_39 = arith.constant dense<0.000000e+00> : vector<256xf32>
    %reduce_sum3A_40 = vector.multi_reduction <add>, %mul3A_38, %reduce_sum3A_39 [1] : vector<256x512xf32> to vector<256xf32>
    %broadcast_in_dim3A_41 = vector.shape_cast %reduce_sum3A_40 : vector<256xf32> to vector<256x1xf32>
    %mul3A_42 = arith.mulf %broadcast_in_dim3A_41, %broadcast_in_dim3A_41 : vector<256x1xf32>
    %reduce_sum3A_43 = vector.shape_cast %mul3A_42 : vector<256x1xf32> to vector<1x256x1xf32>
    %reduce_sum3A_44 = arith.constant dense<0.000000e+00> : vector<1xf32>
    %reduce_sum3A_45 = vector.multi_reduction <add>, %reduce_sum3A_43, %reduce_sum3A_44 [1, 2] : vector<1x256x1xf32> to vector<1xf32>
    %reduce_sum3A_46 = vector.shape_cast %reduce_sum3A_45 : vector<1xf32> to vector<1x1x1xf32>
    %reduce_sum3A_47 = vector.extract %reduce_sum3A_46[0, 0, 0] : f32 from vector<1x1x1xf32>
    %add3A_48 = arith.addf %add3A_37, %reduce_sum3A_47 : f32
    %mul3A_49 = arith.mulf %slice3A_16, %slice3A_11 : vector<256x512xf32>
    %reduce_sum3A_50 = arith.constant dense<0.000000e+00> : vector<256xf32>
    %reduce_sum3A_51 = vector.multi_reduction <add>, %mul3A_49, %reduce_sum3A_50 [1] : vector<256x512xf32> to vector<256xf32>
    %broadcast_in_dim3A_52 = vector.shape_cast %reduce_sum3A_51 : vector<256xf32> to vector<256x1xf32>
    %mul3A_53 = arith.mulf %broadcast_in_dim3A_52, %broadcast_in_dim3A_52 : vector<256x1xf32>
    %reduce_sum3A_54 = vector.shape_cast %mul3A_53 : vector<256x1xf32> to vector<1x256x1xf32>
    %reduce_sum3A_55 = arith.constant dense<0.000000e+00> : vector<1xf32>
    %reduce_sum3A_56 = vector.multi_reduction <add>, %reduce_sum3A_54, %reduce_sum3A_55 [1, 2] : vector<1x256x1xf32> to vector<1xf32>
    %reduce_sum3A_57 = vector.shape_cast %reduce_sum3A_56 : vector<1xf32> to vector<1x1x1xf32>
    %reduce_sum3A_58 = vector.extract %reduce_sum3A_57[0, 0, 0] : f32 from vector<1x1x1xf32>
    %add3A_59 = arith.addf %add3A_48, %reduce_sum3A_58 : f32
    %mul3A_60 = arith.mulf %slice3A_16, %slice3A_12 : vector<256x512xf32>
    %reduce_sum3A_61 = arith.constant dense<0.000000e+00> : vector<256xf32>
    %reduce_sum3A_62 = vector.multi_reduction <add>, %mul3A_60, %reduce_sum3A_61 [1] : vector<256x512xf32> to vector<256xf32>
    %broadcast_in_dim3A_63 = vector.shape_cast %reduce_sum3A_62 : vector<256xf32> to vector<256x1xf32>
    %mul3A_64 = arith.mulf %broadcast_in_dim3A_63, %broadcast_in_dim3A_63 : vector<256x1xf32>
    %reduce_sum3A_65 = vector.shape_cast %mul3A_64 : vector<256x1xf32> to vector<1x256x1xf32>
    %reduce_sum3A_66 = arith.constant dense<0.000000e+00> : vector<1xf32>
    %reduce_sum3A_67 = vector.multi_reduction <add>, %reduce_sum3A_65, %reduce_sum3A_66 [1, 2] : vector<1x256x1xf32> to vector<1xf32>
    %reduce_sum3A_68 = vector.shape_cast %reduce_sum3A_67 : vector<1xf32> to vector<1x1x1xf32>
    %reduce_sum3A_69 = vector.extract %reduce_sum3A_68[0, 0, 0] : f32 from vector<1x1x1xf32>
    %add3A_70 = arith.addf %add3A_59, %reduce_sum3A_69 : f32
    %mul3A_71 = arith.mulf %slice3A_16, %slice3A_13 : vector<256x512xf32>
    %reduce_sum3A_72 = arith.constant dense<0.000000e+00> : vector<256xf32>
    %reduce_sum3A_73 = vector.multi_reduction <add>, %mul3A_71, %reduce_sum3A_72 [1] : vector<256x512xf32> to vector<256xf32>
    %broadcast_in_dim3A_74 = vector.shape_cast %reduce_sum3A_73 : vector<256xf32> to vector<256x1xf32>
    %mul3A_75 = arith.mulf %broadcast_in_dim3A_74, %broadcast_in_dim3A_74 : vector<256x1xf32>
    %reduce_sum3A_76 = vector.shape_cast %mul3A_75 : vector<256x1xf32> to vector<1x256x1xf32>
    %reduce_sum3A_77 = arith.constant dense<0.000000e+00> : vector<1xf32>
    %reduce_sum3A_78 = vector.multi_reduction <add>, %reduce_sum3A_76, %reduce_sum3A_77 [1, 2] : vector<1x256x1xf32> to vector<1xf32>
    %reduce_sum3A_79 = vector.shape_cast %reduce_sum3A_78 : vector<1xf32> to vector<1x1x1xf32>
    %reduce_sum3A_80 = vector.extract %reduce_sum3A_79[0, 0, 0] : f32 from vector<1x1x1xf32>
    %add3A_81 = arith.addf %add3A_70, %reduce_sum3A_80 : f32
    %mul3A_82 = arith.mulf %slice3A_16, %slice3A_14 : vector<256x512xf32>
    %reduce_sum3A_83 = arith.constant dense<0.000000e+00> : vector<256xf32>
    %reduce_sum3A_84 = vector.multi_reduction <add>, %mul3A_82, %reduce_sum3A_83 [1] : vector<256x512xf32> to vector<256xf32>
    %broadcast_in_dim3A_85 = vector.shape_cast %reduce_sum3A_84 : vector<256xf32> to vector<256x1xf32>
    %mul3A_86 = arith.mulf %broadcast_in_dim3A_85, %broadcast_in_dim3A_85 : vector<256x1xf32>
    %reduce_sum3A_87 = vector.shape_cast %mul3A_86 : vector<256x1xf32> to vector<1x256x1xf32>
    %reduce_sum3A_88 = arith.constant dense<0.000000e+00> : vector<1xf32>
    %reduce_sum3A_89 = vector.multi_reduction <add>, %reduce_sum3A_87, %reduce_sum3A_88 [1, 2] : vector<1x256x1xf32> to vector<1xf32>
    %reduce_sum3A_90 = vector.shape_cast %reduce_sum3A_89 : vector<1xf32> to vector<1x1x1xf32>
    %reduce_sum3A_91 = vector.extract %reduce_sum3A_90[0, 0, 0] : f32 from vector<1x1x1xf32>
    %add3A_92 = arith.addf %add3A_81, %reduce_sum3A_91 : f32
    %mul3A_93 = arith.mulf %slice3A_16, %slice3A_15 : vector<256x512xf32>
    %reduce_sum3A_94 = arith.constant dense<0.000000e+00> : vector<256xf32>
    %reduce_sum3A_95 = vector.multi_reduction <add>, %mul3A_93, %reduce_sum3A_94 [1] : vector<256x512xf32> to vector<256xf32>
    %broadcast_in_dim3A_96 = vector.shape_cast %reduce_sum3A_95 : vector<256xf32> to vector<256x1xf32>
    %mul3A_97 = arith.mulf %broadcast_in_dim3A_96, %broadcast_in_dim3A_96 : vector<256x1xf32>
    %reduce_sum3A_98 = vector.shape_cast %mul3A_97 : vector<256x1xf32> to vector<1x256x1xf32>
    %reduce_sum3A_99 = arith.constant dense<0.000000e+00> : vector<1xf32>
    %reduce_sum3A_100 = vector.multi_reduction <add>, %reduce_sum3A_98, %reduce_sum3A_99 [1, 2] : vector<1x256x1xf32> to vector<1xf32>
    %reduce_sum3A_101 = vector.shape_cast %reduce_sum3A_100 : vector<1xf32> to vector<1x1x1xf32>
    %reduce_sum3A_102 = vector.extract %reduce_sum3A_101[0, 0, 0] : f32 from vector<1x1x1xf32>
    %add3A_103 = arith.addf %add3A_92, %reduce_sum3A_102 : f32
    %slice3A_104 = vector.extract_strided_slice %get3A_1 {offsets = [0, 512], sizes = [256, 512], strides = [1, 1]} : vector<256x4096xf32> to vector<256x512xf32>
    %mul3A_105 = arith.mulf %slice3A_104, %slice3A : vector<256x512xf32>
    %reduce_sum3A_106 = arith.constant dense<0.000000e+00> : vector<256xf32>
    %reduce_sum3A_107 = vector.multi_reduction <add>, %mul3A_105, %reduce_sum3A_106 [1] : vector<256x512xf32> to vector<256xf32>
    %broadcast_in_dim3A_108 = vector.shape_cast %reduce_sum3A_107 : vector<256xf32> to vector<256x1xf32>
    %mul3A_109 = arith.mulf %broadcast_in_dim3A_108, %broadcast_in_dim3A_108 : vector<256x1xf32>
    %reduce_sum3A_110 = vector.shape_cast %mul3A_109 : vector<256x1xf32> to vector<1x256x1xf32>
    %reduce_sum3A_111 = arith.constant dense<0.000000e+00> : vector<1xf32>
    %reduce_sum3A_112 = vector.multi_reduction <add>, %reduce_sum3A_110, %reduce_sum3A_111 [1, 2] : vector<1x256x1xf32> to vector<1xf32>
    %reduce_sum3A_113 = vector.shape_cast %reduce_sum3A_112 : vector<1xf32> to vector<1x1x1xf32>
    %reduce_sum3A_114 = vector.extract %reduce_sum3A_113[0, 0, 0] : f32 from vector<1x1x1xf32>
    %add3A_115 = arith.addf %add3A_103, %reduce_sum3A_114 : f32
    %mul3A_116 = arith.mulf %slice3A_104, %slice3A_9 : vector<256x512xf32>
    %reduce_sum3A_117 = arith.constant dense<0.000000e+00> : vector<256xf32>
    %reduce_sum3A_118 = vector.multi_reduction <add>, %mul3A_116, %reduce_sum3A_117 [1] : vector<256x512xf32> to vector<256xf32>
    %broadcast_in_dim3A_119 = vector.shape_cast %reduce_sum3A_118 : vector<256xf32> to vector<256x1xf32>
    %mul3A_120 = arith.mulf %broadcast_in_dim3A_119, %broadcast_in_dim3A_119 : vector<256x1xf32>
    %reduce_sum3A_121 = vector.shape_cast %mul3A_120 : vector<256x1xf32> to vector<1x256x1xf32>
    %reduce_sum3A_122 = arith.constant dense<0.000000e+00> : vector<1xf32>
    %reduce_sum3A_123 = vector.multi_reduction <add>, %reduce_sum3A_121, %reduce_sum3A_122 [1, 2] : vector<1x256x1xf32> to vector<1xf32>
    %reduce_sum3A_124 = vector.shape_cast %reduce_sum3A_123 : vector<1xf32> to vector<1x1x1xf32>
    %reduce_sum3A_125 = vector.extract %reduce_sum3A_124[0, 0, 0] : f32 from vector<1x1x1xf32>
    %add3A_126 = arith.addf %add3A_115, %reduce_sum3A_125 : f32
    %mul3A_127 = arith.mulf %slice3A_104, %slice3A_10 : vector<256x512xf32>
    %reduce_sum3A_128 = arith.constant dense<0.000000e+00> : vector<256xf32>
    %reduce_sum3A_129 = vector.multi_reduction <add>, %mul3A_127, %reduce_sum3A_128 [1] : vector<256x512xf32> to vector<256xf32>
    %broadcast_in_dim3A_130 = vector.shape_cast %reduce_sum3A_129 : vector<256xf32> to vector<256x1xf32>
    %mul3A_131 = arith.mulf %broadcast_in_dim3A_130, %broadcast_in_dim3A_130 : vector<256x1xf32>
    %reduce_sum3A_132 = vector.shape_cast %mul3A_131 : vector<256x1xf32> to vector<1x256x1xf32>
    %reduce_sum3A_133 = arith.constant dense<0.000000e+00> : vector<1xf32>
    %reduce_sum3A_134 = vector.multi_reduction <add>, %reduce_sum3A_132, %reduce_sum3A_133 [1, 2] : vector<1x256x1xf32> to vector<1xf32>
    %reduce_sum3A_135 = vector.shape_cast %reduce_sum3A_134 : vector<1xf32> to vector<1x1x1xf32>
    %reduce_sum3A_136 = vector.extract %reduce_sum3A_135[0, 0, 0] : f32 from vector<1x1x1xf32>
    %add3A_137 = arith.addf %add3A_126, %reduce_sum3A_136 : f32
    %mul3A_138 = arith.mulf %slice3A_104, %slice3A_11 : vector<256x512xf32>
    %reduce_sum3A_139 = arith.constant dense<0.000000e+00> : vector<256xf32>
    %reduce_sum3A_140 = vector.multi_reduction <add>, %mul3A_138, %reduce_sum3A_139 [1] : vector<256x512xf32> to vector<256xf32>
    %broadcast_in_dim3A_141 = vector.shape_cast %reduce_sum3A_140 : vector<256xf32> to vector<256x1xf32>
    %mul3A_142 = arith.mulf %broadcast_in_dim3A_141, %broadcast_in_dim3A_141 : vector<256x1xf32>
    %reduce_sum3A_143 = vector.shape_cast %mul3A_142 : vector<256x1xf32> to vector<1x256x1xf32>
    %reduce_sum3A_144 = arith.constant dense<0.000000e+00> : vector<1xf32>
    %reduce_sum3A_145 = vector.multi_reduction <add>, %reduce_sum3A_143, %reduce_sum3A_144 [1, 2] : vector<1x256x1xf32> to vector<1xf32>
    %reduce_sum3A_146 = vector.shape_cast %reduce_sum3A_145 : vector<1xf32> to vector<1x1x1xf32>
    %reduce_sum3A_147 = vector.extract %reduce_sum3A_146[0, 0, 0] : f32 from vector<1x1x1xf32>
    %add3A_148 = arith.addf %add3A_137, %reduce_sum3A_147 : f32
    %mul3A_149 = arith.mulf %slice3A_104, %slice3A_12 : vector<256x512xf32>
    %reduce_sum3A_150 = arith.constant dense<0.000000e+00> : vector<256xf32>
    %reduce_sum3A_151 = vector.multi_reduction <add>, %mul3A_149, %reduce_sum3A_150 [1] : vector<256x512xf32> to vector<256xf32>
    %broadcast_in_dim3A_152 = vector.shape_cast %reduce_sum3A_151 : vector<256xf32> to vector<256x1xf32>
    %mul3A_153 = arith.mulf %broadcast_in_dim3A_152, %broadcast_in_dim3A_152 : vector<256x1xf32>
    %reduce_sum3A_154 = vector.shape_cast %mul3A_153 : vector<256x1xf32> to vector<1x256x1xf32>
    %reduce_sum3A_155 = arith.constant dense<0.000000e+00> : vector<1xf32>
    %reduce_sum3A_156 = vector.multi_reduction <add>, %reduce_sum3A_154, %reduce_sum3A_155 [1, 2] : vector<1x256x1xf32> to vector<1xf32>
    %reduce_sum3A_157 = vector.shape_cast %reduce_sum3A_156 : vector<1xf32> to vector<1x1x1xf32>
    %reduce_sum3A_158 = vector.extract %reduce_sum3A_157[0, 0, 0] : f32 from vector<1x1x1xf32>
    %add3A_159 = arith.addf %add3A_148, %reduce_sum3A_158 : f32
    %mul3A_160 = arith.mulf %slice3A_104, %slice3A_13 : vector<256x512xf32>
    %reduce_sum3A_161 = arith.constant dense<0.000000e+00> : vector<256xf32>
    %reduce_sum3A_162 = vector.multi_reduction <add>, %mul3A_160, %reduce_sum3A_161 [1] : vector<256x512xf32> to vector<256xf32>
    %broadcast_in_dim3A_163 = vector.shape_cast %reduce_sum3A_162 : vector<256xf32> to vector<256x1xf32>
    %mul3A_164 = arith.mulf %broadcast_in_dim3A_163, %broadcast_in_dim3A_163 : vector<256x1xf32>
    %reduce_sum3A_165 = vector.shape_cast %mul3A_164 : vector<256x1xf32> to vector<1x256x1xf32>
    %reduce_sum3A_166 = arith.constant dense<0.000000e+00> : vector<1xf32>
    %reduce_sum3A_167 = vector.multi_reduction <add>, %reduce_sum3A_165, %reduce_sum3A_166 [1, 2] : vector<1x256x1xf32> to vector<1xf32>
    %reduce_sum3A_168 = vector.shape_cast %reduce_sum3A_167 : vector<1xf32> to vector<1x1x1xf32>
    %reduce_sum3A_169 = vector.extract %reduce_sum3A_168[0, 0, 0] : f32 from vector<1x1x1xf32>
    %add3A_170 = arith.addf %add3A_159, %reduce_sum3A_169 : f32
    %mul3A_171 = arith.mulf %slice3A_104, %slice3A_14 : vector<256x512xf32>
    %reduce_sum3A_172 = arith.constant dense<0.000000e+00> : vector<256xf32>
    %reduce_sum3A_173 = vector.multi_reduction <add>, %mul3A_171, %reduce_sum3A_172 [1] : vector<256x512xf32> to vector<256xf32>
    %broadcast_in_dim3A_174 = vector.shape_cast %reduce_sum3A_173 : vector<256xf32> to vector<256x1xf32>
    %mul3A_175 = arith.mulf %broadcast_in_dim3A_174, %broadcast_in_dim3A_174 : vector<256x1xf32>
    %reduce_sum3A_176 = vector.shape_cast %mul3A_175 : vector<256x1xf32> to vector<1x256x1xf32>
    %reduce_sum3A_177 = arith.constant dense<0.000000e+00> : vector<1xf32>
    %reduce_sum3A_178 = vector.multi_reduction <add>, %reduce_sum3A_176, %reduce_sum3A_177 [1, 2] : vector<1x256x1xf32> to vector<1xf32>
    %reduce_sum3A_179 = vector.shape_cast %reduce_sum3A_178 : vector<1xf32> to vector<1x1x1xf32>
    %reduce_sum3A_180 = vector.extract %reduce_sum3A_179[0, 0, 0] : f32 from vector<1x1x1xf32>
    %add3A_181 = arith.addf %add3A_170, %reduce_sum3A_180 : f32
    %mul3A_182 = arith.mulf %slice3A_104, %slice3A_15 : vector<256x512xf32>
    %reduce_sum3A_183 = arith.constant dense<0.000000e+00> : vector<256xf32>
    %reduce_sum3A_184 = vector.multi_reduction <add>, %mul3A_182, %reduce_sum3A_183 [1] : vector<256x512xf32> to vector<256xf32>
    %broadcast_in_dim3A_185 = vector.shape_cast %reduce_sum3A_184 : vector<256xf32> to vector<256x1xf32>
    %mul3A_186 = arith.mulf %broadcast_in_dim3A_185, %broadcast_in_dim3A_185 : vector<256x1xf32>
    %reduce_sum3A_187 = vector.shape_cast %mul3A_186 : vector<256x1xf32> to vector<1x256x1xf32>
    %reduce_sum3A_188 = arith.constant dense<0.000000e+00> : vector<1xf32>
    %reduce_sum3A_189 = vector.multi_reduction <add>, %reduce_sum3A_187, %reduce_sum3A_188 [1, 2] : vector<1x256x1xf32> to vector<1xf32>
    %reduce_sum3A_190 = vector.shape_cast %reduce_sum3A_189 : vector<1xf32> to vector<1x1x1xf32>
    %reduce_sum3A_191 = vector.extract %reduce_sum3A_190[0, 0, 0] : f32 from vector<1x1x1xf32>
    %add3A_192 = arith.addf %add3A_181, %reduce_sum3A_191 : f32
    %slice3A_193 = vector.extract_strided_slice %get3A_1 {offsets = [0, 1024], sizes = [256, 512], strides = [1, 1]} : vector<256x4096xf32> to vector<256x512xf32>
    %mul3A_194 = arith.mulf %slice3A_193, %slice3A : vector<256x512xf32>
    %reduce_sum3A_195 = arith.constant dense<0.000000e+00> : vector<256xf32>
    %reduce_sum3A_196 = vector.multi_reduction <add>, %mul3A_194, %reduce_sum3A_195 [1] : vector<256x512xf32> to vector<256xf32>
    %broadcast_in_dim3A_197 = vector.shape_cast %reduce_sum3A_196 : vector<256xf32> to vector<256x1xf32>
    %mul3A_198 = arith.mulf %broadcast_in_dim3A_197, %broadcast_in_dim3A_197 : vector<256x1xf32>
    %reduce_sum3A_199 = vector.shape_cast %mul3A_198 : vector<256x1xf32> to vector<1x256x1xf32>
    %reduce_sum3A_200 = arith.constant dense<0.000000e+00> : vector<1xf32>
    %reduce_sum3A_201 = vector.multi_reduction <add>, %reduce_sum3A_199, %reduce_sum3A_200 [1, 2] : vector<1x256x1xf32> to vector<1xf32>
    %reduce_sum3A_202 = vector.shape_cast %reduce_sum3A_201 : vector<1xf32> to vector<1x1x1xf32>
    %reduce_sum3A_203 = vector.extract %reduce_sum3A_202[0, 0, 0] : f32 from vector<1x1x1xf32>
    %add3A_204 = arith.addf %add3A_192, %reduce_sum3A_203 : f32
    %mul3A_205 = arith.mulf %slice3A_193, %slice3A_9 : vector<256x512xf32>
    %reduce_sum3A_206 = arith.constant dense<0.000000e+00> : vector<256xf32>
    %reduce_sum3A_207 = vector.multi_reduction <add>, %mul3A_205, %reduce_sum3A_206 [1] : vector<256x512xf32> to vector<256xf32>
    %broadcast_in_dim3A_208 = vector.shape_cast %reduce_sum3A_207 : vector<256xf32> to vector<256x1xf32>
    %mul3A_209 = arith.mulf %broadcast_in_dim3A_208, %broadcast_in_dim3A_208 : vector<256x1xf32>
    %reduce_sum3A_210 = vector.shape_cast %mul3A_209 : vector<256x1xf32> to vector<1x256x1xf32>
    %reduce_sum3A_211 = arith.constant dense<0.000000e+00> : vector<1xf32>
    %reduce_sum3A_212 = vector.multi_reduction <add>, %reduce_sum3A_210, %reduce_sum3A_211 [1, 2] : vector<1x256x1xf32> to vector<1xf32>
    %reduce_sum3A_213 = vector.shape_cast %reduce_sum3A_212 : vector<1xf32> to vector<1x1x1xf32>
    %reduce_sum3A_214 = vector.extract %reduce_sum3A_213[0, 0, 0] : f32 from vector<1x1x1xf32>
    %add3A_215 = arith.addf %add3A_204, %reduce_sum3A_214 : f32
    %mul3A_216 = arith.mulf %slice3A_193, %slice3A_10 : vector<256x512xf32>
    %reduce_sum3A_217 = arith.constant dense<0.000000e+00> : vector<256xf32>
    %reduce_sum3A_218 = vector.multi_reduction <add>, %mul3A_216, %reduce_sum3A_217 [1] : vector<256x512xf32> to vector<256xf32>
    %broadcast_in_dim3A_219 = vector.shape_cast %reduce_sum3A_218 : vector<256xf32> to vector<256x1xf32>
    %mul3A_220 = arith.mulf %broadcast_in_dim3A_219, %broadcast_in_dim3A_219 : vector<256x1xf32>
    %reduce_sum3A_221 = vector.shape_cast %mul3A_220 : vector<256x1xf32> to vector<1x256x1xf32>
    %reduce_sum3A_222 = arith.constant dense<0.000000e+00> : vector<1xf32>
    %reduce_sum3A_223 = vector.multi_reduction <add>, %reduce_sum3A_221, %reduce_sum3A_222 [1, 2] : vector<1x256x1xf32> to vector<1xf32>
    %reduce_sum3A_224 = vector.shape_cast %reduce_sum3A_223 : vector<1xf32> to vector<1x1x1xf32>
    %reduce_sum3A_225 = vector.extract %reduce_sum3A_224[0, 0, 0] : f32 from vector<1x1x1xf32>
    %add3A_226 = arith.addf %add3A_215, %reduce_sum3A_225 : f32
    %mul3A_227 = arith.mulf %slice3A_193, %slice3A_11 : vector<256x512xf32>
    %reduce_sum3A_228 = arith.constant dense<0.000000e+00> : vector<256xf32>
    %reduce_sum3A_229 = vector.multi_reduction <add>, %mul3A_227, %reduce_sum3A_228 [1] : vector<256x512xf32> to vector<256xf32>
    %broadcast_in_dim3A_230 = vector.shape_cast %reduce_sum3A_229 : vector<256xf32> to vector<256x1xf32>
    %mul3A_231 = arith.mulf %broadcast_in_dim3A_230, %broadcast_in_dim3A_230 : vector<256x1xf32>
    %reduce_sum3A_232 = vector.shape_cast %mul3A_231 : vector<256x1xf32> to vector<1x256x1xf32>
    %reduce_sum3A_233 = arith.constant dense<0.000000e+00> : vector<1xf32>
    %reduce_sum3A_234 = vector.multi_reduction <add>, %reduce_sum3A_232, %reduce_sum3A_233 [1, 2] : vector<1x256x1xf32> to vector<1xf32>
    %reduce_sum3A_235 = vector.shape_cast %reduce_sum3A_234 : vector<1xf32> to vector<1x1x1xf32>
    %reduce_sum3A_236 = vector.extract %reduce_sum3A_235[0, 0, 0] : f32 from vector<1x1x1xf32>
    %add3A_237 = arith.addf %add3A_226, %reduce_sum3A_236 : f32
    %mul3A_238 = arith.mulf %slice3A_193, %slice3A_12 : vector<256x512xf32>
    %reduce_sum3A_239 = arith.constant dense<0.000000e+00> : vector<256xf32>
    %reduce_sum3A_240 = vector.multi_reduction <add>, %mul3A_238, %reduce_sum3A_239 [1] : vector<256x512xf32> to vector<256xf32>
    %broadcast_in_dim3A_241 = vector.shape_cast %reduce_sum3A_240 : vector<256xf32> to vector<256x1xf32>
    %mul3A_242 = arith.mulf %broadcast_in_dim3A_241, %broadcast_in_dim3A_241 : vector<256x1xf32>
    %reduce_sum3A_243 = vector.shape_cast %mul3A_242 : vector<256x1xf32> to vector<1x256x1xf32>
    %reduce_sum3A_244 = arith.constant dense<0.000000e+00> : vector<1xf32>
    %reduce_sum3A_245 = vector.multi_reduction <add>, %reduce_sum3A_243, %reduce_sum3A_244 [1, 2] : vector<1x256x1xf32> to vector<1xf32>
    %reduce_sum3A_246 = vector.shape_cast %reduce_sum3A_245 : vector<1xf32> to vector<1x1x1xf32>
    %reduce_sum3A_247 = vector.extract %reduce_sum3A_246[0, 0, 0] : f32 from vector<1x1x1xf32>
    %add3A_248 = arith.addf %add3A_237, %reduce_sum3A_247 : f32
    %mul3A_249 = arith.mulf %slice3A_193, %slice3A_13 : vector<256x512xf32>
    %reduce_sum3A_250 = arith.constant dense<0.000000e+00> : vector<256xf32>
    %reduce_sum3A_251 = vector.multi_reduction <add>, %mul3A_249, %reduce_sum3A_250 [1] : vector<256x512xf32> to vector<256xf32>
    %broadcast_in_dim3A_252 = vector.shape_cast %reduce_sum3A_251 : vector<256xf32> to vector<256x1xf32>
    %mul3A_253 = arith.mulf %broadcast_in_dim3A_252, %broadcast_in_dim3A_252 : vector<256x1xf32>
    %reduce_sum3A_254 = vector.shape_cast %mul3A_253 : vector<256x1xf32> to vector<1x256x1xf32>
    %reduce_sum3A_255 = arith.constant dense<0.000000e+00> : vector<1xf32>
    %reduce_sum3A_256 = vector.multi_reduction <add>, %reduce_sum3A_254, %reduce_sum3A_255 [1, 2] : vector<1x256x1xf32> to vector<1xf32>
    %reduce_sum3A_257 = vector.shape_cast %reduce_sum3A_256 : vector<1xf32> to vector<1x1x1xf32>
    %reduce_sum3A_258 = vector.extract %reduce_sum3A_257[0, 0, 0] : f32 from vector<1x1x1xf32>
    %add3A_259 = arith.addf %add3A_248, %reduce_sum3A_258 : f32
    %mul3A_260 = arith.mulf %slice3A_193, %slice3A_14 : vector<256x512xf32>
    %reduce_sum3A_261 = arith.constant dense<0.000000e+00> : vector<256xf32>
    %reduce_sum3A_262 = vector.multi_reduction <add>, %mul3A_260, %reduce_sum3A_261 [1] : vector<256x512xf32> to vector<256xf32>
    %broadcast_in_dim3A_263 = vector.shape_cast %reduce_sum3A_262 : vector<256xf32> to vector<256x1xf32>
    %mul3A_264 = arith.mulf %broadcast_in_dim3A_263, %broadcast_in_dim3A_263 : vector<256x1xf32>
    %reduce_sum3A_265 = vector.shape_cast %mul3A_264 : vector<256x1xf32> to vector<1x256x1xf32>
    %reduce_sum3A_266 = arith.constant dense<0.000000e+00> : vector<1xf32>
    %reduce_sum3A_267 = vector.multi_reduction <add>, %reduce_sum3A_265, %reduce_sum3A_266 [1, 2] : vector<1x256x1xf32> to vector<1xf32>
    %reduce_sum3A_268 = vector.shape_cast %reduce_sum3A_267 : vector<1xf32> to vector<1x1x1xf32>
    %reduce_sum3A_269 = vector.extract %reduce_sum3A_268[0, 0, 0] : f32 from vector<1x1x1xf32>
    %add3A_270 = arith.addf %add3A_259, %reduce_sum3A_269 : f32
    %mul3A_271 = arith.mulf %slice3A_193, %slice3A_15 : vector<256x512xf32>
    %reduce_sum3A_272 = arith.constant dense<0.000000e+00> : vector<256xf32>
    %reduce_sum3A_273 = vector.multi_reduction <add>, %mul3A_271, %reduce_sum3A_272 [1] : vector<256x512xf32> to vector<256xf32>
    %broadcast_in_dim3A_274 = vector.shape_cast %reduce_sum3A_273 : vector<256xf32> to vector<256x1xf32>
    %mul3A_275 = arith.mulf %broadcast_in_dim3A_274, %broadcast_in_dim3A_274 : vector<256x1xf32>
    %reduce_sum3A_276 = vector.shape_cast %mul3A_275 : vector<256x1xf32> to vector<1x256x1xf32>
    %reduce_sum3A_277 = arith.constant dense<0.000000e+00> : vector<1xf32>
    %reduce_sum3A_278 = vector.multi_reduction <add>, %reduce_sum3A_276, %reduce_sum3A_277 [1, 2] : vector<1x256x1xf32> to vector<1xf32>
    %reduce_sum3A_279 = vector.shape_cast %reduce_sum3A_278 : vector<1xf32> to vector<1x1x1xf32>
    %reduce_sum3A_280 = vector.extract %reduce_sum3A_279[0, 0, 0] : f32 from vector<1x1x1xf32>
    %add3A_281 = arith.addf %add3A_270, %reduce_sum3A_280 : f32
    %slice3A_282 = vector.extract_strided_slice %get3A_1 {offsets = [0, 1536], sizes = [256, 512], strides = [1, 1]} : vector<256x4096xf32> to vector<256x512xf32>
    %mul3A_283 = arith.mulf %slice3A_282, %slice3A : vector<256x512xf32>
    %reduce_sum3A_284 = arith.constant dense<0.000000e+00> : vector<256xf32>
    %reduce_sum3A_285 = vector.multi_reduction <add>, %mul3A_283, %reduce_sum3A_284 [1] : vector<256x512xf32> to vector<256xf32>
    %broadcast_in_dim3A_286 = vector.shape_cast %reduce_sum3A_285 : vector<256xf32> to vector<256x1xf32>
    %mul3A_287 = arith.mulf %broadcast_in_dim3A_286, %broadcast_in_dim3A_286 : vector<256x1xf32>
    %reduce_sum3A_288 = vector.shape_cast %mul3A_287 : vector<256x1xf32> to vector<1x256x1xf32>
    %reduce_sum3A_289 = arith.constant dense<0.000000e+00> : vector<1xf32>
    %reduce_sum3A_290 = vector.multi_reduction <add>, %reduce_sum3A_288, %reduce_sum3A_289 [1, 2] : vector<1x256x1xf32> to vector<1xf32>
    %reduce_sum3A_291 = vector.shape_cast %reduce_sum3A_290 : vector<1xf32> to vector<1x1x1xf32>
    %reduce_sum3A_292 = vector.extract %reduce_sum3A_291[0, 0, 0] : f32 from vector<1x1x1xf32>
    %add3A_293 = arith.addf %add3A_281, %reduce_sum3A_292 : f32
    %mul3A_294 = arith.mulf %slice3A_282, %slice3A_9 : vector<256x512xf32>
    %reduce_sum3A_295 = arith.constant dense<0.000000e+00> : vector<256xf32>
    %reduce_sum3A_296 = vector.multi_reduction <add>, %mul3A_294, %reduce_sum3A_295 [1] : vector<256x512xf32> to vector<256xf32>
    %broadcast_in_dim3A_297 = vector.shape_cast %reduce_sum3A_296 : vector<256xf32> to vector<256x1xf32>
    %mul3A_298 = arith.mulf %broadcast_in_dim3A_297, %broadcast_in_dim3A_297 : vector<256x1xf32>
    %reduce_sum3A_299 = vector.shape_cast %mul3A_298 : vector<256x1xf32> to vector<1x256x1xf32>
    %reduce_sum3A_300 = arith.constant dense<0.000000e+00> : vector<1xf32>
    %reduce_sum3A_301 = vector.multi_reduction <add>, %reduce_sum3A_299, %reduce_sum3A_300 [1, 2] : vector<1x256x1xf32> to vector<1xf32>
    %reduce_sum3A_302 = vector.shape_cast %reduce_sum3A_301 : vector<1xf32> to vector<1x1x1xf32>
    %reduce_sum3A_303 = vector.extract %reduce_sum3A_302[0, 0, 0] : f32 from vector<1x1x1xf32>
    %add3A_304 = arith.addf %add3A_293, %reduce_sum3A_303 : f32
    %mul3A_305 = arith.mulf %slice3A_282, %slice3A_10 : vector<256x512xf32>
    %reduce_sum3A_306 = arith.constant dense<0.000000e+00> : vector<256xf32>
    %reduce_sum3A_307 = vector.multi_reduction <add>, %mul3A_305, %reduce_sum3A_306 [1] : vector<256x512xf32> to vector<256xf32>
    %broadcast_in_dim3A_308 = vector.shape_cast %reduce_sum3A_307 : vector<256xf32> to vector<256x1xf32>
    %mul3A_309 = arith.mulf %broadcast_in_dim3A_308, %broadcast_in_dim3A_308 : vector<256x1xf32>
    %reduce_sum3A_310 = vector.shape_cast %mul3A_309 : vector<256x1xf32> to vector<1x256x1xf32>
    %reduce_sum3A_311 = arith.constant dense<0.000000e+00> : vector<1xf32>
    %reduce_sum3A_312 = vector.multi_reduction <add>, %reduce_sum3A_310, %reduce_sum3A_311 [1, 2] : vector<1x256x1xf32> to vector<1xf32>
    %reduce_sum3A_313 = vector.shape_cast %reduce_sum3A_312 : vector<1xf32> to vector<1x1x1xf32>
    %reduce_sum3A_314 = vector.extract %reduce_sum3A_313[0, 0, 0] : f32 from vector<1x1x1xf32>
    %add3A_315 = arith.addf %add3A_304, %reduce_sum3A_314 : f32
    %mul3A_316 = arith.mulf %slice3A_282, %slice3A_11 : vector<256x512xf32>
    %reduce_sum3A_317 = arith.constant dense<0.000000e+00> : vector<256xf32>
    %reduce_sum3A_318 = vector.multi_reduction <add>, %mul3A_316, %reduce_sum3A_317 [1] : vector<256x512xf32> to vector<256xf32>
    %broadcast_in_dim3A_319 = vector.shape_cast %reduce_sum3A_318 : vector<256xf32> to vector<256x1xf32>
    %mul3A_320 = arith.mulf %broadcast_in_dim3A_319, %broadcast_in_dim3A_319 : vector<256x1xf32>
    %reduce_sum3A_321 = vector.shape_cast %mul3A_320 : vector<256x1xf32> to vector<1x256x1xf32>
    %reduce_sum3A_322 = arith.constant dense<0.000000e+00> : vector<1xf32>
    %reduce_sum3A_323 = vector.multi_reduction <add>, %reduce_sum3A_321, %reduce_sum3A_322 [1, 2] : vector<1x256x1xf32> to vector<1xf32>
    %reduce_sum3A_324 = vector.shape_cast %reduce_sum3A_323 : vector<1xf32> to vector<1x1x1xf32>
    %reduce_sum3A_325 = vector.extract %reduce_sum3A_324[0, 0, 0] : f32 from vector<1x1x1xf32>
    %add3A_326 = arith.addf %add3A_315, %reduce_sum3A_325 : f32
    %mul3A_327 = arith.mulf %slice3A_282, %slice3A_12 : vector<256x512xf32>
    %reduce_sum3A_328 = arith.constant dense<0.000000e+00> : vector<256xf32>
    %reduce_sum3A_329 = vector.multi_reduction <add>, %mul3A_327, %reduce_sum3A_328 [1] : vector<256x512xf32> to vector<256xf32>
    %broadcast_in_dim3A_330 = vector.shape_cast %reduce_sum3A_329 : vector<256xf32> to vector<256x1xf32>
    %mul3A_331 = arith.mulf %broadcast_in_dim3A_330, %broadcast_in_dim3A_330 : vector<256x1xf32>
    %reduce_sum3A_332 = vector.shape_cast %mul3A_331 : vector<256x1xf32> to vector<1x256x1xf32>
    %reduce_sum3A_333 = arith.constant dense<0.000000e+00> : vector<1xf32>
    %reduce_sum3A_334 = vector.multi_reduction <add>, %reduce_sum3A_332, %reduce_sum3A_333 [1, 2] : vector<1x256x1xf32> to vector<1xf32>
    %reduce_sum3A_335 = vector.shape_cast %reduce_sum3A_334 : vector<1xf32> to vector<1x1x1xf32>
    %reduce_sum3A_336 = vector.extract %reduce_sum3A_335[0, 0, 0] : f32 from vector<1x1x1xf32>
    %add3A_337 = arith.addf %add3A_326, %reduce_sum3A_336 : f32
    %mul3A_338 = arith.mulf %slice3A_282, %slice3A_13 : vector<256x512xf32>
    %reduce_sum3A_339 = arith.constant dense<0.000000e+00> : vector<256xf32>
    %reduce_sum3A_340 = vector.multi_reduction <add>, %mul3A_338, %reduce_sum3A_339 [1] : vector<256x512xf32> to vector<256xf32>
    %broadcast_in_dim3A_341 = vector.shape_cast %reduce_sum3A_340 : vector<256xf32> to vector<256x1xf32>
    %mul3A_342 = arith.mulf %broadcast_in_dim3A_341, %broadcast_in_dim3A_341 : vector<256x1xf32>
    %reduce_sum3A_343 = vector.shape_cast %mul3A_342 : vector<256x1xf32> to vector<1x256x1xf32>
    %reduce_sum3A_344 = arith.constant dense<0.000000e+00> : vector<1xf32>
    %reduce_sum3A_345 = vector.multi_reduction <add>, %reduce_sum3A_343, %reduce_sum3A_344 [1, 2] : vector<1x256x1xf32> to vector<1xf32>
    %reduce_sum3A_346 = vector.shape_cast %reduce_sum3A_345 : vector<1xf32> to vector<1x1x1xf32>
    %reduce_sum3A_347 = vector.extract %reduce_sum3A_346[0, 0, 0] : f32 from vector<1x1x1xf32>
    %add3A_348 = arith.addf %add3A_337, %reduce_sum3A_347 : f32
    %mul3A_349 = arith.mulf %slice3A_282, %slice3A_14 : vector<256x512xf32>
    %reduce_sum3A_350 = arith.constant dense<0.000000e+00> : vector<256xf32>
    %reduce_sum3A_351 = vector.multi_reduction <add>, %mul3A_349, %reduce_sum3A_350 [1] : vector<256x512xf32> to vector<256xf32>
    %broadcast_in_dim3A_352 = vector.shape_cast %reduce_sum3A_351 : vector<256xf32> to vector<256x1xf32>
    %mul3A_353 = arith.mulf %broadcast_in_dim3A_352, %broadcast_in_dim3A_352 : vector<256x1xf32>
    %reduce_sum3A_354 = vector.shape_cast %mul3A_353 : vector<256x1xf32> to vector<1x256x1xf32>
    %reduce_sum3A_355 = arith.constant dense<0.000000e+00> : vector<1xf32>
    %reduce_sum3A_356 = vector.multi_reduction <add>, %reduce_sum3A_354, %reduce_sum3A_355 [1, 2] : vector<1x256x1xf32> to vector<1xf32>
    %reduce_sum3A_357 = vector.shape_cast %reduce_sum3A_356 : vector<1xf32> to vector<1x1x1xf32>
    %reduce_sum3A_358 = vector.extract %reduce_sum3A_357[0, 0, 0] : f32 from vector<1x1x1xf32>
    %add3A_359 = arith.addf %add3A_348, %reduce_sum3A_358 : f32
    %mul3A_360 = arith.mulf %slice3A_282, %slice3A_15 : vector<256x512xf32>
    %reduce_sum3A_361 = arith.constant dense<0.000000e+00> : vector<256xf32>
    %reduce_sum3A_362 = vector.multi_reduction <add>, %mul3A_360, %reduce_sum3A_361 [1] : vector<256x512xf32> to vector<256xf32>
    %broadcast_in_dim3A_363 = vector.shape_cast %reduce_sum3A_362 : vector<256xf32> to vector<256x1xf32>
    %mul3A_364 = arith.mulf %broadcast_in_dim3A_363, %broadcast_in_dim3A_363 : vector<256x1xf32>
    %reduce_sum3A_365 = vector.shape_cast %mul3A_364 : vector<256x1xf32> to vector<1x256x1xf32>
    %reduce_sum3A_366 = arith.constant dense<0.000000e+00> : vector<1xf32>
    %reduce_sum3A_367 = vector.multi_reduction <add>, %reduce_sum3A_365, %reduce_sum3A_366 [1, 2] : vector<1x256x1xf32> to vector<1xf32>
    %reduce_sum3A_368 = vector.shape_cast %reduce_sum3A_367 : vector<1xf32> to vector<1x1x1xf32>
    %reduce_sum3A_369 = vector.extract %reduce_sum3A_368[0, 0, 0] : f32 from vector<1x1x1xf32>
    %add3A_370 = arith.addf %add3A_359, %reduce_sum3A_369 : f32
    %slice3A_371 = vector.extract_strided_slice %get3A_1 {offsets = [0, 2048], sizes = [256, 512], strides = [1, 1]} : vector<256x4096xf32> to vector<256x512xf32>
    %mul3A_372 = arith.mulf %slice3A_371, %slice3A : vector<256x512xf32>
    %reduce_sum3A_373 = arith.constant dense<0.000000e+00> : vector<256xf32>
    %reduce_sum3A_374 = vector.multi_reduction <add>, %mul3A_372, %reduce_sum3A_373 [1] : vector<256x512xf32> to vector<256xf32>
    %broadcast_in_dim3A_375 = vector.shape_cast %reduce_sum3A_374 : vector<256xf32> to vector<256x1xf32>
    %mul3A_376 = arith.mulf %broadcast_in_dim3A_375, %broadcast_in_dim3A_375 : vector<256x1xf32>
    %reduce_sum3A_377 = vector.shape_cast %mul3A_376 : vector<256x1xf32> to vector<1x256x1xf32>
    %reduce_sum3A_378 = arith.constant dense<0.000000e+00> : vector<1xf32>
    %reduce_sum3A_379 = vector.multi_reduction <add>, %reduce_sum3A_377, %reduce_sum3A_378 [1, 2] : vector<1x256x1xf32> to vector<1xf32>
    %reduce_sum3A_380 = vector.shape_cast %reduce_sum3A_379 : vector<1xf32> to vector<1x1x1xf32>
    %reduce_sum3A_381 = vector.extract %reduce_sum3A_380[0, 0, 0] : f32 from vector<1x1x1xf32>
    %add3A_382 = arith.addf %add3A_370, %reduce_sum3A_381 : f32
    %mul3A_383 = arith.mulf %slice3A_371, %slice3A_9 : vector<256x512xf32>
    %reduce_sum3A_384 = arith.constant dense<0.000000e+00> : vector<256xf32>
    %reduce_sum3A_385 = vector.multi_reduction <add>, %mul3A_383, %reduce_sum3A_384 [1] : vector<256x512xf32> to vector<256xf32>
    %broadcast_in_dim3A_386 = vector.shape_cast %reduce_sum3A_385 : vector<256xf32> to vector<256x1xf32>
    %mul3A_387 = arith.mulf %broadcast_in_dim3A_386, %broadcast_in_dim3A_386 : vector<256x1xf32>
    %reduce_sum3A_388 = vector.shape_cast %mul3A_387 : vector<256x1xf32> to vector<1x256x1xf32>
    %reduce_sum3A_389 = arith.constant dense<0.000000e+00> : vector<1xf32>
    %reduce_sum3A_390 = vector.multi_reduction <add>, %reduce_sum3A_388, %reduce_sum3A_389 [1, 2] : vector<1x256x1xf32> to vector<1xf32>
    %reduce_sum3A_391 = vector.shape_cast %reduce_sum3A_390 : vector<1xf32> to vector<1x1x1xf32>
    %reduce_sum3A_392 = vector.extract %reduce_sum3A_391[0, 0, 0] : f32 from vector<1x1x1xf32>
    %add3A_393 = arith.addf %add3A_382, %reduce_sum3A_392 : f32
    %mul3A_394 = arith.mulf %slice3A_371, %slice3A_10 : vector<256x512xf32>
    %reduce_sum3A_395 = arith.constant dense<0.000000e+00> : vector<256xf32>
    %reduce_sum3A_396 = vector.multi_reduction <add>, %mul3A_394, %reduce_sum3A_395 [1] : vector<256x512xf32> to vector<256xf32>
    %broadcast_in_dim3A_397 = vector.shape_cast %reduce_sum3A_396 : vector<256xf32> to vector<256x1xf32>
    %mul3A_398 = arith.mulf %broadcast_in_dim3A_397, %broadcast_in_dim3A_397 : vector<256x1xf32>
    %reduce_sum3A_399 = vector.shape_cast %mul3A_398 : vector<256x1xf32> to vector<1x256x1xf32>
    %reduce_sum3A_400 = arith.constant dense<0.000000e+00> : vector<1xf32>
    %reduce_sum3A_401 = vector.multi_reduction <add>, %reduce_sum3A_399, %reduce_sum3A_400 [1, 2] : vector<1x256x1xf32> to vector<1xf32>
    %reduce_sum3A_402 = vector.shape_cast %reduce_sum3A_401 : vector<1xf32> to vector<1x1x1xf32>
    %reduce_sum3A_403 = vector.extract %reduce_sum3A_402[0, 0, 0] : f32 from vector<1x1x1xf32>
    %add3A_404 = arith.addf %add3A_393, %reduce_sum3A_403 : f32
    %mul3A_405 = arith.mulf %slice3A_371, %slice3A_11 : vector<256x512xf32>
    %reduce_sum3A_406 = arith.constant dense<0.000000e+00> : vector<256xf32>
    %reduce_sum3A_407 = vector.multi_reduction <add>, %mul3A_405, %reduce_sum3A_406 [1] : vector<256x512xf32> to vector<256xf32>
    %broadcast_in_dim3A_408 = vector.shape_cast %reduce_sum3A_407 : vector<256xf32> to vector<256x1xf32>
    %mul3A_409 = arith.mulf %broadcast_in_dim3A_408, %broadcast_in_dim3A_408 : vector<256x1xf32>
    %reduce_sum3A_410 = vector.shape_cast %mul3A_409 : vector<256x1xf32> to vector<1x256x1xf32>
    %reduce_sum3A_411 = arith.constant dense<0.000000e+00> : vector<1xf32>
    %reduce_sum3A_412 = vector.multi_reduction <add>, %reduce_sum3A_410, %reduce_sum3A_411 [1, 2] : vector<1x256x1xf32> to vector<1xf32>
    %reduce_sum3A_413 = vector.shape_cast %reduce_sum3A_412 : vector<1xf32> to vector<1x1x1xf32>
    %reduce_sum3A_414 = vector.extract %reduce_sum3A_413[0, 0, 0] : f32 from vector<1x1x1xf32>
    %add3A_415 = arith.addf %add3A_404, %reduce_sum3A_414 : f32
    %mul3A_416 = arith.mulf %slice3A_371, %slice3A_12 : vector<256x512xf32>
    %reduce_sum3A_417 = arith.constant dense<0.000000e+00> : vector<256xf32>
    %reduce_sum3A_418 = vector.multi_reduction <add>, %mul3A_416, %reduce_sum3A_417 [1] : vector<256x512xf32> to vector<256xf32>
    %broadcast_in_dim3A_419 = vector.shape_cast %reduce_sum3A_418 : vector<256xf32> to vector<256x1xf32>
    %mul3A_420 = arith.mulf %broadcast_in_dim3A_419, %broadcast_in_dim3A_419 : vector<256x1xf32>
    %reduce_sum3A_421 = vector.shape_cast %mul3A_420 : vector<256x1xf32> to vector<1x256x1xf32>
    %reduce_sum3A_422 = arith.constant dense<0.000000e+00> : vector<1xf32>
    %reduce_sum3A_423 = vector.multi_reduction <add>, %reduce_sum3A_421, %reduce_sum3A_422 [1, 2] : vector<1x256x1xf32> to vector<1xf32>
    %reduce_sum3A_424 = vector.shape_cast %reduce_sum3A_423 : vector<1xf32> to vector<1x1x1xf32>
    %reduce_sum3A_425 = vector.extract %reduce_sum3A_424[0, 0, 0] : f32 from vector<1x1x1xf32>
    %add3A_426 = arith.addf %add3A_415, %reduce_sum3A_425 : f32
    %mul3A_427 = arith.mulf %slice3A_371, %slice3A_13 : vector<256x512xf32>
    %reduce_sum3A_428 = arith.constant dense<0.000000e+00> : vector<256xf32>
    %reduce_sum3A_429 = vector.multi_reduction <add>, %mul3A_427, %reduce_sum3A_428 [1] : vector<256x512xf32> to vector<256xf32>
    %broadcast_in_dim3A_430 = vector.shape_cast %reduce_sum3A_429 : vector<256xf32> to vector<256x1xf32>
    %mul3A_431 = arith.mulf %broadcast_in_dim3A_430, %broadcast_in_dim3A_430 : vector<256x1xf32>
    %reduce_sum3A_432 = vector.shape_cast %mul3A_431 : vector<256x1xf32> to vector<1x256x1xf32>
    %reduce_sum3A_433 = arith.constant dense<0.000000e+00> : vector<1xf32>
    %reduce_sum3A_434 = vector.multi_reduction <add>, %reduce_sum3A_432, %reduce_sum3A_433 [1, 2] : vector<1x256x1xf32> to vector<1xf32>
    %reduce_sum3A_435 = vector.shape_cast %reduce_sum3A_434 : vector<1xf32> to vector<1x1x1xf32>
    %reduce_sum3A_436 = vector.extract %reduce_sum3A_435[0, 0, 0] : f32 from vector<1x1x1xf32>
    %add3A_437 = arith.addf %add3A_426, %reduce_sum3A_436 : f32
    %mul3A_438 = arith.mulf %slice3A_371, %slice3A_14 : vector<256x512xf32>
    %reduce_sum3A_439 = arith.constant dense<0.000000e+00> : vector<256xf32>
    %reduce_sum3A_440 = vector.multi_reduction <add>, %mul3A_438, %reduce_sum3A_439 [1] : vector<256x512xf32> to vector<256xf32>
    %broadcast_in_dim3A_441 = vector.shape_cast %reduce_sum3A_440 : vector<256xf32> to vector<256x1xf32>
    %mul3A_442 = arith.mulf %broadcast_in_dim3A_441, %broadcast_in_dim3A_441 : vector<256x1xf32>
    %reduce_sum3A_443 = vector.shape_cast %mul3A_442 : vector<256x1xf32> to vector<1x256x1xf32>
    %reduce_sum3A_444 = arith.constant dense<0.000000e+00> : vector<1xf32>
    %reduce_sum3A_445 = vector.multi_reduction <add>, %reduce_sum3A_443, %reduce_sum3A_444 [1, 2] : vector<1x256x1xf32> to vector<1xf32>
    %reduce_sum3A_446 = vector.shape_cast %reduce_sum3A_445 : vector<1xf32> to vector<1x1x1xf32>
    %reduce_sum3A_447 = vector.extract %reduce_sum3A_446[0, 0, 0] : f32 from vector<1x1x1xf32>
    %add3A_448 = arith.addf %add3A_437, %reduce_sum3A_447 : f32
    %mul3A_449 = arith.mulf %slice3A_371, %slice3A_15 : vector<256x512xf32>
    %reduce_sum3A_450 = arith.constant dense<0.000000e+00> : vector<256xf32>
    %reduce_sum3A_451 = vector.multi_reduction <add>, %mul3A_449, %reduce_sum3A_450 [1] : vector<256x512xf32> to vector<256xf32>
    %broadcast_in_dim3A_452 = vector.shape_cast %reduce_sum3A_451 : vector<256xf32> to vector<256x1xf32>
    %mul3A_453 = arith.mulf %broadcast_in_dim3A_452, %broadcast_in_dim3A_452 : vector<256x1xf32>
    %reduce_sum3A_454 = vector.shape_cast %mul3A_453 : vector<256x1xf32> to vector<1x256x1xf32>
    %reduce_sum3A_455 = arith.constant dense<0.000000e+00> : vector<1xf32>
    %reduce_sum3A_456 = vector.multi_reduction <add>, %reduce_sum3A_454, %reduce_sum3A_455 [1, 2] : vector<1x256x1xf32> to vector<1xf32>
    %reduce_sum3A_457 = vector.shape_cast %reduce_sum3A_456 : vector<1xf32> to vector<1x1x1xf32>
    %reduce_sum3A_458 = vector.extract %reduce_sum3A_457[0, 0, 0] : f32 from vector<1x1x1xf32>
    %add3A_459 = arith.addf %add3A_448, %reduce_sum3A_458 : f32
    %slice3A_460 = vector.extract_strided_slice %get3A_1 {offsets = [0, 2560], sizes = [256, 512], strides = [1, 1]} : vector<256x4096xf32> to vector<256x512xf32>
    %mul3A_461 = arith.mulf %slice3A_460, %slice3A : vector<256x512xf32>
    %reduce_sum3A_462 = arith.constant dense<0.000000e+00> : vector<256xf32>
    %reduce_sum3A_463 = vector.multi_reduction <add>, %mul3A_461, %reduce_sum3A_462 [1] : vector<256x512xf32> to vector<256xf32>
    %broadcast_in_dim3A_464 = vector.shape_cast %reduce_sum3A_463 : vector<256xf32> to vector<256x1xf32>
    %mul3A_465 = arith.mulf %broadcast_in_dim3A_464, %broadcast_in_dim3A_464 : vector<256x1xf32>
    %reduce_sum3A_466 = vector.shape_cast %mul3A_465 : vector<256x1xf32> to vector<1x256x1xf32>
    %reduce_sum3A_467 = arith.constant dense<0.000000e+00> : vector<1xf32>
    %reduce_sum3A_468 = vector.multi_reduction <add>, %reduce_sum3A_466, %reduce_sum3A_467 [1, 2] : vector<1x256x1xf32> to vector<1xf32>
    %reduce_sum3A_469 = vector.shape_cast %reduce_sum3A_468 : vector<1xf32> to vector<1x1x1xf32>
    %reduce_sum3A_470 = vector.extract %reduce_sum3A_469[0, 0, 0] : f32 from vector<1x1x1xf32>
    %add3A_471 = arith.addf %add3A_459, %reduce_sum3A_470 : f32
    %mul3A_472 = arith.mulf %slice3A_460, %slice3A_9 : vector<256x512xf32>
    %reduce_sum3A_473 = arith.constant dense<0.000000e+00> : vector<256xf32>
    %reduce_sum3A_474 = vector.multi_reduction <add>, %mul3A_472, %reduce_sum3A_473 [1] : vector<256x512xf32> to vector<256xf32>
    %broadcast_in_dim3A_475 = vector.shape_cast %reduce_sum3A_474 : vector<256xf32> to vector<256x1xf32>
    %mul3A_476 = arith.mulf %broadcast_in_dim3A_475, %broadcast_in_dim3A_475 : vector<256x1xf32>
    %reduce_sum3A_477 = vector.shape_cast %mul3A_476 : vector<256x1xf32> to vector<1x256x1xf32>
    %reduce_sum3A_478 = arith.constant dense<0.000000e+00> : vector<1xf32>
    %reduce_sum3A_479 = vector.multi_reduction <add>, %reduce_sum3A_477, %reduce_sum3A_478 [1, 2] : vector<1x256x1xf32> to vector<1xf32>
    %reduce_sum3A_480 = vector.shape_cast %reduce_sum3A_479 : vector<1xf32> to vector<1x1x1xf32>
    %reduce_sum3A_481 = vector.extract %reduce_sum3A_480[0, 0, 0] : f32 from vector<1x1x1xf32>
    %add3A_482 = arith.addf %add3A_471, %reduce_sum3A_481 : f32
    %mul3A_483 = arith.mulf %slice3A_460, %slice3A_10 : vector<256x512xf32>
    %reduce_sum3A_484 = arith.constant dense<0.000000e+00> : vector<256xf32>
    %reduce_sum3A_485 = vector.multi_reduction <add>, %mul3A_483, %reduce_sum3A_484 [1] : vector<256x512xf32> to vector<256xf32>
    %broadcast_in_dim3A_486 = vector.shape_cast %reduce_sum3A_485 : vector<256xf32> to vector<256x1xf32>
    %mul3A_487 = arith.mulf %broadcast_in_dim3A_486, %broadcast_in_dim3A_486 : vector<256x1xf32>
    %reduce_sum3A_488 = vector.shape_cast %mul3A_487 : vector<256x1xf32> to vector<1x256x1xf32>
    %reduce_sum3A_489 = arith.constant dense<0.000000e+00> : vector<1xf32>
    %reduce_sum3A_490 = vector.multi_reduction <add>, %reduce_sum3A_488, %reduce_sum3A_489 [1, 2] : vector<1x256x1xf32> to vector<1xf32>
    %reduce_sum3A_491 = vector.shape_cast %reduce_sum3A_490 : vector<1xf32> to vector<1x1x1xf32>
    %reduce_sum3A_492 = vector.extract %reduce_sum3A_491[0, 0, 0] : f32 from vector<1x1x1xf32>
    %add3A_493 = arith.addf %add3A_482, %reduce_sum3A_492 : f32
    %mul3A_494 = arith.mulf %slice3A_460, %slice3A_11 : vector<256x512xf32>
    %reduce_sum3A_495 = arith.constant dense<0.000000e+00> : vector<256xf32>
    %reduce_sum3A_496 = vector.multi_reduction <add>, %mul3A_494, %reduce_sum3A_495 [1] : vector<256x512xf32> to vector<256xf32>
    %broadcast_in_dim3A_497 = vector.shape_cast %reduce_sum3A_496 : vector<256xf32> to vector<256x1xf32>
    %mul3A_498 = arith.mulf %broadcast_in_dim3A_497, %broadcast_in_dim3A_497 : vector<256x1xf32>
    %reduce_sum3A_499 = vector.shape_cast %mul3A_498 : vector<256x1xf32> to vector<1x256x1xf32>
    %reduce_sum3A_500 = arith.constant dense<0.000000e+00> : vector<1xf32>
    %reduce_sum3A_501 = vector.multi_reduction <add>, %reduce_sum3A_499, %reduce_sum3A_500 [1, 2] : vector<1x256x1xf32> to vector<1xf32>
    %reduce_sum3A_502 = vector.shape_cast %reduce_sum3A_501 : vector<1xf32> to vector<1x1x1xf32>
    %reduce_sum3A_503 = vector.extract %reduce_sum3A_502[0, 0, 0] : f32 from vector<1x1x1xf32>
    %add3A_504 = arith.addf %add3A_493, %reduce_sum3A_503 : f32
    %mul3A_505 = arith.mulf %slice3A_460, %slice3A_12 : vector<256x512xf32>
    %reduce_sum3A_506 = arith.constant dense<0.000000e+00> : vector<256xf32>
    %reduce_sum3A_507 = vector.multi_reduction <add>, %mul3A_505, %reduce_sum3A_506 [1] : vector<256x512xf32> to vector<256xf32>
    %broadcast_in_dim3A_508 = vector.shape_cast %reduce_sum3A_507 : vector<256xf32> to vector<256x1xf32>
    %mul3A_509 = arith.mulf %broadcast_in_dim3A_508, %broadcast_in_dim3A_508 : vector<256x1xf32>
    %reduce_sum3A_510 = vector.shape_cast %mul3A_509 : vector<256x1xf32> to vector<1x256x1xf32>
    %reduce_sum3A_511 = arith.constant dense<0.000000e+00> : vector<1xf32>
    %reduce_sum3A_512 = vector.multi_reduction <add>, %reduce_sum3A_510, %reduce_sum3A_511 [1, 2] : vector<1x256x1xf32> to vector<1xf32>
    %reduce_sum3A_513 = vector.shape_cast %reduce_sum3A_512 : vector<1xf32> to vector<1x1x1xf32>
    %reduce_sum3A_514 = vector.extract %reduce_sum3A_513[0, 0, 0] : f32 from vector<1x1x1xf32>
    %add3A_515 = arith.addf %add3A_504, %reduce_sum3A_514 : f32
    %mul3A_516 = arith.mulf %slice3A_460, %slice3A_13 : vector<256x512xf32>
    %reduce_sum3A_517 = arith.constant dense<0.000000e+00> : vector<256xf32>
    %reduce_sum3A_518 = vector.multi_reduction <add>, %mul3A_516, %reduce_sum3A_517 [1] : vector<256x512xf32> to vector<256xf32>
    %broadcast_in_dim3A_519 = vector.shape_cast %reduce_sum3A_518 : vector<256xf32> to vector<256x1xf32>
    %mul3A_520 = arith.mulf %broadcast_in_dim3A_519, %broadcast_in_dim3A_519 : vector<256x1xf32>
    %reduce_sum3A_521 = vector.shape_cast %mul3A_520 : vector<256x1xf32> to vector<1x256x1xf32>
    %reduce_sum3A_522 = arith.constant dense<0.000000e+00> : vector<1xf32>
    %reduce_sum3A_523 = vector.multi_reduction <add>, %reduce_sum3A_521, %reduce_sum3A_522 [1, 2] : vector<1x256x1xf32> to vector<1xf32>
    %reduce_sum3A_524 = vector.shape_cast %reduce_sum3A_523 : vector<1xf32> to vector<1x1x1xf32>
    %reduce_sum3A_525 = vector.extract %reduce_sum3A_524[0, 0, 0] : f32 from vector<1x1x1xf32>
    %add3A_526 = arith.addf %add3A_515, %reduce_sum3A_525 : f32
    %mul3A_527 = arith.mulf %slice3A_460, %slice3A_14 : vector<256x512xf32>
    %reduce_sum3A_528 = arith.constant dense<0.000000e+00> : vector<256xf32>
    %reduce_sum3A_529 = vector.multi_reduction <add>, %mul3A_527, %reduce_sum3A_528 [1] : vector<256x512xf32> to vector<256xf32>
    %broadcast_in_dim3A_530 = vector.shape_cast %reduce_sum3A_529 : vector<256xf32> to vector<256x1xf32>
    %mul3A_531 = arith.mulf %broadcast_in_dim3A_530, %broadcast_in_dim3A_530 : vector<256x1xf32>
    %reduce_sum3A_532 = vector.shape_cast %mul3A_531 : vector<256x1xf32> to vector<1x256x1xf32>
    %reduce_sum3A_533 = arith.constant dense<0.000000e+00> : vector<1xf32>
    %reduce_sum3A_534 = vector.multi_reduction <add>, %reduce_sum3A_532, %reduce_sum3A_533 [1, 2] : vector<1x256x1xf32> to vector<1xf32>
    %reduce_sum3A_535 = vector.shape_cast %reduce_sum3A_534 : vector<1xf32> to vector<1x1x1xf32>
    %reduce_sum3A_536 = vector.extract %reduce_sum3A_535[0, 0, 0] : f32 from vector<1x1x1xf32>
    %add3A_537 = arith.addf %add3A_526, %reduce_sum3A_536 : f32
    %mul3A_538 = arith.mulf %slice3A_460, %slice3A_15 : vector<256x512xf32>
    %reduce_sum3A_539 = arith.constant dense<0.000000e+00> : vector<256xf32>
    %reduce_sum3A_540 = vector.multi_reduction <add>, %mul3A_538, %reduce_sum3A_539 [1] : vector<256x512xf32> to vector<256xf32>
    %broadcast_in_dim3A_541 = vector.shape_cast %reduce_sum3A_540 : vector<256xf32> to vector<256x1xf32>
    %mul3A_542 = arith.mulf %broadcast_in_dim3A_541, %broadcast_in_dim3A_541 : vector<256x1xf32>
    %reduce_sum3A_543 = vector.shape_cast %mul3A_542 : vector<256x1xf32> to vector<1x256x1xf32>
    %reduce_sum3A_544 = arith.constant dense<0.000000e+00> : vector<1xf32>
    %reduce_sum3A_545 = vector.multi_reduction <add>, %reduce_sum3A_543, %reduce_sum3A_544 [1, 2] : vector<1x256x1xf32> to vector<1xf32>
    %reduce_sum3A_546 = vector.shape_cast %reduce_sum3A_545 : vector<1xf32> to vector<1x1x1xf32>
    %reduce_sum3A_547 = vector.extract %reduce_sum3A_546[0, 0, 0] : f32 from vector<1x1x1xf32>
    %add3A_548 = arith.addf %add3A_537, %reduce_sum3A_547 : f32
    %slice3A_549 = vector.extract_strided_slice %get3A_1 {offsets = [0, 3072], sizes = [256, 512], strides = [1, 1]} : vector<256x4096xf32> to vector<256x512xf32>
    %mul3A_550 = arith.mulf %slice3A_549, %slice3A : vector<256x512xf32>
    %reduce_sum3A_551 = arith.constant dense<0.000000e+00> : vector<256xf32>
    %reduce_sum3A_552 = vector.multi_reduction <add>, %mul3A_550, %reduce_sum3A_551 [1] : vector<256x512xf32> to vector<256xf32>
    %broadcast_in_dim3A_553 = vector.shape_cast %reduce_sum3A_552 : vector<256xf32> to vector<256x1xf32>
    %mul3A_554 = arith.mulf %broadcast_in_dim3A_553, %broadcast_in_dim3A_553 : vector<256x1xf32>
    %reduce_sum3A_555 = vector.shape_cast %mul3A_554 : vector<256x1xf32> to vector<1x256x1xf32>
    %reduce_sum3A_556 = arith.constant dense<0.000000e+00> : vector<1xf32>
    %reduce_sum3A_557 = vector.multi_reduction <add>, %reduce_sum3A_555, %reduce_sum3A_556 [1, 2] : vector<1x256x1xf32> to vector<1xf32>
    %reduce_sum3A_558 = vector.shape_cast %reduce_sum3A_557 : vector<1xf32> to vector<1x1x1xf32>
    %reduce_sum3A_559 = vector.extract %reduce_sum3A_558[0, 0, 0] : f32 from vector<1x1x1xf32>
    %add3A_560 = arith.addf %add3A_548, %reduce_sum3A_559 : f32
    %mul3A_561 = arith.mulf %slice3A_549, %slice3A_9 : vector<256x512xf32>
    %reduce_sum3A_562 = arith.constant dense<0.000000e+00> : vector<256xf32>
    %reduce_sum3A_563 = vector.multi_reduction <add>, %mul3A_561, %reduce_sum3A_562 [1] : vector<256x512xf32> to vector<256xf32>
    %broadcast_in_dim3A_564 = vector.shape_cast %reduce_sum3A_563 : vector<256xf32> to vector<256x1xf32>
    %mul3A_565 = arith.mulf %broadcast_in_dim3A_564, %broadcast_in_dim3A_564 : vector<256x1xf32>
    %reduce_sum3A_566 = vector.shape_cast %mul3A_565 : vector<256x1xf32> to vector<1x256x1xf32>
    %reduce_sum3A_567 = arith.constant dense<0.000000e+00> : vector<1xf32>
    %reduce_sum3A_568 = vector.multi_reduction <add>, %reduce_sum3A_566, %reduce_sum3A_567 [1, 2] : vector<1x256x1xf32> to vector<1xf32>
    %reduce_sum3A_569 = vector.shape_cast %reduce_sum3A_568 : vector<1xf32> to vector<1x1x1xf32>
    %reduce_sum3A_570 = vector.extract %reduce_sum3A_569[0, 0, 0] : f32 from vector<1x1x1xf32>
    %add3A_571 = arith.addf %add3A_560, %reduce_sum3A_570 : f32
    %mul3A_572 = arith.mulf %slice3A_549, %slice3A_10 : vector<256x512xf32>
    %reduce_sum3A_573 = arith.constant dense<0.000000e+00> : vector<256xf32>
    %reduce_sum3A_574 = vector.multi_reduction <add>, %mul3A_572, %reduce_sum3A_573 [1] : vector<256x512xf32> to vector<256xf32>
    %broadcast_in_dim3A_575 = vector.shape_cast %reduce_sum3A_574 : vector<256xf32> to vector<256x1xf32>
    %mul3A_576 = arith.mulf %broadcast_in_dim3A_575, %broadcast_in_dim3A_575 : vector<256x1xf32>
    %reduce_sum3A_577 = vector.shape_cast %mul3A_576 : vector<256x1xf32> to vector<1x256x1xf32>
    %reduce_sum3A_578 = arith.constant dense<0.000000e+00> : vector<1xf32>
    %reduce_sum3A_579 = vector.multi_reduction <add>, %reduce_sum3A_577, %reduce_sum3A_578 [1, 2] : vector<1x256x1xf32> to vector<1xf32>
    %reduce_sum3A_580 = vector.shape_cast %reduce_sum3A_579 : vector<1xf32> to vector<1x1x1xf32>
    %reduce_sum3A_581 = vector.extract %reduce_sum3A_580[0, 0, 0] : f32 from vector<1x1x1xf32>
    %add3A_582 = arith.addf %add3A_571, %reduce_sum3A_581 : f32
    %mul3A_583 = arith.mulf %slice3A_549, %slice3A_11 : vector<256x512xf32>
    %reduce_sum3A_584 = arith.constant dense<0.000000e+00> : vector<256xf32>
    %reduce_sum3A_585 = vector.multi_reduction <add>, %mul3A_583, %reduce_sum3A_584 [1] : vector<256x512xf32> to vector<256xf32>
    %broadcast_in_dim3A_586 = vector.shape_cast %reduce_sum3A_585 : vector<256xf32> to vector<256x1xf32>
    %mul3A_587 = arith.mulf %broadcast_in_dim3A_586, %broadcast_in_dim3A_586 : vector<256x1xf32>
    %reduce_sum3A_588 = vector.shape_cast %mul3A_587 : vector<256x1xf32> to vector<1x256x1xf32>
    %reduce_sum3A_589 = arith.constant dense<0.000000e+00> : vector<1xf32>
    %reduce_sum3A_590 = vector.multi_reduction <add>, %reduce_sum3A_588, %reduce_sum3A_589 [1, 2] : vector<1x256x1xf32> to vector<1xf32>
    %reduce_sum3A_591 = vector.shape_cast %reduce_sum3A_590 : vector<1xf32> to vector<1x1x1xf32>
    %reduce_sum3A_592 = vector.extract %reduce_sum3A_591[0, 0, 0] : f32 from vector<1x1x1xf32>
    %add3A_593 = arith.addf %add3A_582, %reduce_sum3A_592 : f32
    %mul3A_594 = arith.mulf %slice3A_549, %slice3A_12 : vector<256x512xf32>
    %reduce_sum3A_595 = arith.constant dense<0.000000e+00> : vector<256xf32>
    %reduce_sum3A_596 = vector.multi_reduction <add>, %mul3A_594, %reduce_sum3A_595 [1] : vector<256x512xf32> to vector<256xf32>
    %broadcast_in_dim3A_597 = vector.shape_cast %reduce_sum3A_596 : vector<256xf32> to vector<256x1xf32>
    %mul3A_598 = arith.mulf %broadcast_in_dim3A_597, %broadcast_in_dim3A_597 : vector<256x1xf32>
    %reduce_sum3A_599 = vector.shape_cast %mul3A_598 : vector<256x1xf32> to vector<1x256x1xf32>
    %reduce_sum3A_600 = arith.constant dense<0.000000e+00> : vector<1xf32>
    %reduce_sum3A_601 = vector.multi_reduction <add>, %reduce_sum3A_599, %reduce_sum3A_600 [1, 2] : vector<1x256x1xf32> to vector<1xf32>
    %reduce_sum3A_602 = vector.shape_cast %reduce_sum3A_601 : vector<1xf32> to vector<1x1x1xf32>
    %reduce_sum3A_603 = vector.extract %reduce_sum3A_602[0, 0, 0] : f32 from vector<1x1x1xf32>
    %add3A_604 = arith.addf %add3A_593, %reduce_sum3A_603 : f32
    %mul3A_605 = arith.mulf %slice3A_549, %slice3A_13 : vector<256x512xf32>
    %reduce_sum3A_606 = arith.constant dense<0.000000e+00> : vector<256xf32>
    %reduce_sum3A_607 = vector.multi_reduction <add>, %mul3A_605, %reduce_sum3A_606 [1] : vector<256x512xf32> to vector<256xf32>
    %broadcast_in_dim3A_608 = vector.shape_cast %reduce_sum3A_607 : vector<256xf32> to vector<256x1xf32>
    %mul3A_609 = arith.mulf %broadcast_in_dim3A_608, %broadcast_in_dim3A_608 : vector<256x1xf32>
    %reduce_sum3A_610 = vector.shape_cast %mul3A_609 : vector<256x1xf32> to vector<1x256x1xf32>
    %reduce_sum3A_611 = arith.constant dense<0.000000e+00> : vector<1xf32>
    %reduce_sum3A_612 = vector.multi_reduction <add>, %reduce_sum3A_610, %reduce_sum3A_611 [1, 2] : vector<1x256x1xf32> to vector<1xf32>
    %reduce_sum3A_613 = vector.shape_cast %reduce_sum3A_612 : vector<1xf32> to vector<1x1x1xf32>
    %reduce_sum3A_614 = vector.extract %reduce_sum3A_613[0, 0, 0] : f32 from vector<1x1x1xf32>
    %add3A_615 = arith.addf %add3A_604, %reduce_sum3A_614 : f32
    %mul3A_616 = arith.mulf %slice3A_549, %slice3A_14 : vector<256x512xf32>
    %reduce_sum3A_617 = arith.constant dense<0.000000e+00> : vector<256xf32>
    %reduce_sum3A_618 = vector.multi_reduction <add>, %mul3A_616, %reduce_sum3A_617 [1] : vector<256x512xf32> to vector<256xf32>
    %broadcast_in_dim3A_619 = vector.shape_cast %reduce_sum3A_618 : vector<256xf32> to vector<256x1xf32>
    %mul3A_620 = arith.mulf %broadcast_in_dim3A_619, %broadcast_in_dim3A_619 : vector<256x1xf32>
    %reduce_sum3A_621 = vector.shape_cast %mul3A_620 : vector<256x1xf32> to vector<1x256x1xf32>
    %reduce_sum3A_622 = arith.constant dense<0.000000e+00> : vector<1xf32>
    %reduce_sum3A_623 = vector.multi_reduction <add>, %reduce_sum3A_621, %reduce_sum3A_622 [1, 2] : vector<1x256x1xf32> to vector<1xf32>
    %reduce_sum3A_624 = vector.shape_cast %reduce_sum3A_623 : vector<1xf32> to vector<1x1x1xf32>
    %reduce_sum3A_625 = vector.extract %reduce_sum3A_624[0, 0, 0] : f32 from vector<1x1x1xf32>
    %add3A_626 = arith.addf %add3A_615, %reduce_sum3A_625 : f32
    %mul3A_627 = arith.mulf %slice3A_549, %slice3A_15 : vector<256x512xf32>
    %reduce_sum3A_628 = arith.constant dense<0.000000e+00> : vector<256xf32>
    %reduce_sum3A_629 = vector.multi_reduction <add>, %mul3A_627, %reduce_sum3A_628 [1] : vector<256x512xf32> to vector<256xf32>
    %broadcast_in_dim3A_630 = vector.shape_cast %reduce_sum3A_629 : vector<256xf32> to vector<256x1xf32>
    %mul3A_631 = arith.mulf %broadcast_in_dim3A_630, %broadcast_in_dim3A_630 : vector<256x1xf32>
    %reduce_sum3A_632 = vector.shape_cast %mul3A_631 : vector<256x1xf32> to vector<1x256x1xf32>
    %reduce_sum3A_633 = arith.constant dense<0.000000e+00> : vector<1xf32>
    %reduce_sum3A_634 = vector.multi_reduction <add>, %reduce_sum3A_632, %reduce_sum3A_633 [1, 2] : vector<1x256x1xf32> to vector<1xf32>
    %reduce_sum3A_635 = vector.shape_cast %reduce_sum3A_634 : vector<1xf32> to vector<1x1x1xf32>
    %reduce_sum3A_636 = vector.extract %reduce_sum3A_635[0, 0, 0] : f32 from vector<1x1x1xf32>
    %add3A_637 = arith.addf %add3A_626, %reduce_sum3A_636 : f32
    %slice3A_638 = vector.extract_strided_slice %get3A_1 {offsets = [0, 3584], sizes = [256, 512], strides = [1, 1]} : vector<256x4096xf32> to vector<256x512xf32>
    %mul3A_639 = arith.mulf %slice3A_638, %slice3A : vector<256x512xf32>
    %reduce_sum3A_640 = arith.constant dense<0.000000e+00> : vector<256xf32>
    %reduce_sum3A_641 = vector.multi_reduction <add>, %mul3A_639, %reduce_sum3A_640 [1] : vector<256x512xf32> to vector<256xf32>
    %broadcast_in_dim3A_642 = vector.shape_cast %reduce_sum3A_641 : vector<256xf32> to vector<256x1xf32>
    %mul3A_643 = arith.mulf %broadcast_in_dim3A_642, %broadcast_in_dim3A_642 : vector<256x1xf32>
    %reduce_sum3A_644 = vector.shape_cast %mul3A_643 : vector<256x1xf32> to vector<1x256x1xf32>
    %reduce_sum3A_645 = arith.constant dense<0.000000e+00> : vector<1xf32>
    %reduce_sum3A_646 = vector.multi_reduction <add>, %reduce_sum3A_644, %reduce_sum3A_645 [1, 2] : vector<1x256x1xf32> to vector<1xf32>
    %reduce_sum3A_647 = vector.shape_cast %reduce_sum3A_646 : vector<1xf32> to vector<1x1x1xf32>
    %reduce_sum3A_648 = vector.extract %reduce_sum3A_647[0, 0, 0] : f32 from vector<1x1x1xf32>
    %add3A_649 = arith.addf %add3A_637, %reduce_sum3A_648 : f32
    %mul3A_650 = arith.mulf %slice3A_638, %slice3A_9 : vector<256x512xf32>
    %reduce_sum3A_651 = arith.constant dense<0.000000e+00> : vector<256xf32>
    %reduce_sum3A_652 = vector.multi_reduction <add>, %mul3A_650, %reduce_sum3A_651 [1] : vector<256x512xf32> to vector<256xf32>
    %broadcast_in_dim3A_653 = vector.shape_cast %reduce_sum3A_652 : vector<256xf32> to vector<256x1xf32>
    %mul3A_654 = arith.mulf %broadcast_in_dim3A_653, %broadcast_in_dim3A_653 : vector<256x1xf32>
    %reduce_sum3A_655 = vector.shape_cast %mul3A_654 : vector<256x1xf32> to vector<1x256x1xf32>
    %reduce_sum3A_656 = arith.constant dense<0.000000e+00> : vector<1xf32>
    %reduce_sum3A_657 = vector.multi_reduction <add>, %reduce_sum3A_655, %reduce_sum3A_656 [1, 2] : vector<1x256x1xf32> to vector<1xf32>
    %reduce_sum3A_658 = vector.shape_cast %reduce_sum3A_657 : vector<1xf32> to vector<1x1x1xf32>
    %reduce_sum3A_659 = vector.extract %reduce_sum3A_658[0, 0, 0] : f32 from vector<1x1x1xf32>
    %add3A_660 = arith.addf %add3A_649, %reduce_sum3A_659 : f32
    %mul3A_661 = arith.mulf %slice3A_638, %slice3A_10 : vector<256x512xf32>
    %reduce_sum3A_662 = arith.constant dense<0.000000e+00> : vector<256xf32>
    %reduce_sum3A_663 = vector.multi_reduction <add>, %mul3A_661, %reduce_sum3A_662 [1] : vector<256x512xf32> to vector<256xf32>
    %broadcast_in_dim3A_664 = vector.shape_cast %reduce_sum3A_663 : vector<256xf32> to vector<256x1xf32>
    %mul3A_665 = arith.mulf %broadcast_in_dim3A_664, %broadcast_in_dim3A_664 : vector<256x1xf32>
    %reduce_sum3A_666 = vector.shape_cast %mul3A_665 : vector<256x1xf32> to vector<1x256x1xf32>
    %reduce_sum3A_667 = arith.constant dense<0.000000e+00> : vector<1xf32>
    %reduce_sum3A_668 = vector.multi_reduction <add>, %reduce_sum3A_666, %reduce_sum3A_667 [1, 2] : vector<1x256x1xf32> to vector<1xf32>
    %reduce_sum3A_669 = vector.shape_cast %reduce_sum3A_668 : vector<1xf32> to vector<1x1x1xf32>
    %reduce_sum3A_670 = vector.extract %reduce_sum3A_669[0, 0, 0] : f32 from vector<1x1x1xf32>
    %add3A_671 = arith.addf %add3A_660, %reduce_sum3A_670 : f32
    %mul3A_672 = arith.mulf %slice3A_638, %slice3A_11 : vector<256x512xf32>
    %reduce_sum3A_673 = arith.constant dense<0.000000e+00> : vector<256xf32>
    %reduce_sum3A_674 = vector.multi_reduction <add>, %mul3A_672, %reduce_sum3A_673 [1] : vector<256x512xf32> to vector<256xf32>
    %broadcast_in_dim3A_675 = vector.shape_cast %reduce_sum3A_674 : vector<256xf32> to vector<256x1xf32>
    %mul3A_676 = arith.mulf %broadcast_in_dim3A_675, %broadcast_in_dim3A_675 : vector<256x1xf32>
    %reduce_sum3A_677 = vector.shape_cast %mul3A_676 : vector<256x1xf32> to vector<1x256x1xf32>
    %reduce_sum3A_678 = arith.constant dense<0.000000e+00> : vector<1xf32>
    %reduce_sum3A_679 = vector.multi_reduction <add>, %reduce_sum3A_677, %reduce_sum3A_678 [1, 2] : vector<1x256x1xf32> to vector<1xf32>
    %reduce_sum3A_680 = vector.shape_cast %reduce_sum3A_679 : vector<1xf32> to vector<1x1x1xf32>
    %reduce_sum3A_681 = vector.extract %reduce_sum3A_680[0, 0, 0] : f32 from vector<1x1x1xf32>
    %add3A_682 = arith.addf %add3A_671, %reduce_sum3A_681 : f32
    %mul3A_683 = arith.mulf %slice3A_638, %slice3A_12 : vector<256x512xf32>
    %reduce_sum3A_684 = arith.constant dense<0.000000e+00> : vector<256xf32>
    %reduce_sum3A_685 = vector.multi_reduction <add>, %mul3A_683, %reduce_sum3A_684 [1] : vector<256x512xf32> to vector<256xf32>
    %broadcast_in_dim3A_686 = vector.shape_cast %reduce_sum3A_685 : vector<256xf32> to vector<256x1xf32>
    %mul3A_687 = arith.mulf %broadcast_in_dim3A_686, %broadcast_in_dim3A_686 : vector<256x1xf32>
    %reduce_sum3A_688 = vector.shape_cast %mul3A_687 : vector<256x1xf32> to vector<1x256x1xf32>
    %reduce_sum3A_689 = arith.constant dense<0.000000e+00> : vector<1xf32>
    %reduce_sum3A_690 = vector.multi_reduction <add>, %reduce_sum3A_688, %reduce_sum3A_689 [1, 2] : vector<1x256x1xf32> to vector<1xf32>
    %reduce_sum3A_691 = vector.shape_cast %reduce_sum3A_690 : vector<1xf32> to vector<1x1x1xf32>
    %reduce_sum3A_692 = vector.extract %reduce_sum3A_691[0, 0, 0] : f32 from vector<1x1x1xf32>
    %add3A_693 = arith.addf %add3A_682, %reduce_sum3A_692 : f32
    %mul3A_694 = arith.mulf %slice3A_638, %slice3A_13 : vector<256x512xf32>
    %reduce_sum3A_695 = arith.constant dense<0.000000e+00> : vector<256xf32>
    %reduce_sum3A_696 = vector.multi_reduction <add>, %mul3A_694, %reduce_sum3A_695 [1] : vector<256x512xf32> to vector<256xf32>
    %broadcast_in_dim3A_697 = vector.shape_cast %reduce_sum3A_696 : vector<256xf32> to vector<256x1xf32>
    %mul3A_698 = arith.mulf %broadcast_in_dim3A_697, %broadcast_in_dim3A_697 : vector<256x1xf32>
    %reduce_sum3A_699 = vector.shape_cast %mul3A_698 : vector<256x1xf32> to vector<1x256x1xf32>
    %reduce_sum3A_700 = arith.constant dense<0.000000e+00> : vector<1xf32>
    %reduce_sum3A_701 = vector.multi_reduction <add>, %reduce_sum3A_699, %reduce_sum3A_700 [1, 2] : vector<1x256x1xf32> to vector<1xf32>
    %reduce_sum3A_702 = vector.shape_cast %reduce_sum3A_701 : vector<1xf32> to vector<1x1x1xf32>
    %reduce_sum3A_703 = vector.extract %reduce_sum3A_702[0, 0, 0] : f32 from vector<1x1x1xf32>
    %add3A_704 = arith.addf %add3A_693, %reduce_sum3A_703 : f32
    %mul3A_705 = arith.mulf %slice3A_638, %slice3A_14 : vector<256x512xf32>
    %reduce_sum3A_706 = arith.constant dense<0.000000e+00> : vector<256xf32>
    %reduce_sum3A_707 = vector.multi_reduction <add>, %mul3A_705, %reduce_sum3A_706 [1] : vector<256x512xf32> to vector<256xf32>
    %broadcast_in_dim3A_708 = vector.shape_cast %reduce_sum3A_707 : vector<256xf32> to vector<256x1xf32>
    %mul3A_709 = arith.mulf %broadcast_in_dim3A_708, %broadcast_in_dim3A_708 : vector<256x1xf32>
    %reduce_sum3A_710 = vector.shape_cast %mul3A_709 : vector<256x1xf32> to vector<1x256x1xf32>
    %reduce_sum3A_711 = arith.constant dense<0.000000e+00> : vector<1xf32>
    %reduce_sum3A_712 = vector.multi_reduction <add>, %reduce_sum3A_710, %reduce_sum3A_711 [1, 2] : vector<1x256x1xf32> to vector<1xf32>
    %reduce_sum3A_713 = vector.shape_cast %reduce_sum3A_712 : vector<1xf32> to vector<1x1x1xf32>
    %reduce_sum3A_714 = vector.extract %reduce_sum3A_713[0, 0, 0] : f32 from vector<1x1x1xf32>
    %add3A_715 = arith.addf %add3A_704, %reduce_sum3A_714 : f32
    %mul3A_716 = arith.mulf %slice3A_638, %slice3A_15 : vector<256x512xf32>
    %reduce_sum3A_717 = arith.constant dense<0.000000e+00> : vector<256xf32>
    %reduce_sum3A_718 = vector.multi_reduction <add>, %mul3A_716, %reduce_sum3A_717 [1] : vector<256x512xf32> to vector<256xf32>
    %broadcast_in_dim3A_719 = vector.shape_cast %reduce_sum3A_718 : vector<256xf32> to vector<256x1xf32>
    %mul3A_720 = arith.mulf %broadcast_in_dim3A_719, %broadcast_in_dim3A_719 : vector<256x1xf32>
    %reduce_sum3A_721 = vector.shape_cast %mul3A_720 : vector<256x1xf32> to vector<1x256x1xf32>
    %reduce_sum3A_722 = arith.constant dense<0.000000e+00> : vector<1xf32>
    %reduce_sum3A_723 = vector.multi_reduction <add>, %reduce_sum3A_721, %reduce_sum3A_722 [1, 2] : vector<1x256x1xf32> to vector<1xf32>
    %reduce_sum3A_724 = vector.shape_cast %reduce_sum3A_723 : vector<1xf32> to vector<1x1x1xf32>
    %reduce_sum3A_725 = vector.extract %reduce_sum3A_724[0, 0, 0] : f32 from vector<1x1x1xf32>
    %add3A_726 = arith.addf %add3A_715, %reduce_sum3A_725 : f32
    %eq3A = arith.constant 0 : i32
    %eq3A_727 = arith.cmpi eq, %arg0, %eq3A : i32
    %convert_element_type3A = arith.extui %eq3A_727 : i1 to i32
    %cond3A = arith.constant 0 : i32
    %cond3A_728 = arith.cmpi ne, %convert_element_type3A, %cond3A : i32
    scf.if %cond3A_728 {
      %swap3A_738 = arith.constant 0.000000e+00 : f32
      %swap3A_739 = arith.constant 0 : index
      %swap3A_740 = memref.load %arg4[%swap3A_739] : memref<1xf32, #tpu.memory_space<smem>>
      memref.store %swap3A_738, %arg4[%swap3A_739] : memref<1xf32, #tpu.memory_space<smem>>
    } else {
    }
    %get3A_729 = arith.constant 0 : index
    %get3A_730 = memref.load %arg4[%get3A_729] : memref<1xf32, #tpu.memory_space<smem>>
    %sub3A = arith.subf %reduce_sum3A_8, %add3A_726 : f32
    %add3A_731 = arith.addf %get3A_730, %sub3A : f32
    %swap3A = arith.constant 0 : index
    %swap3A_732 = memref.load %arg4[%swap3A] : memref<1xf32, #tpu.memory_space<smem>>
    memref.store %add3A_731, %arg4[%swap3A] : memref<1xf32, #tpu.memory_space<smem>>
    %eq3A_733 = arith.constant 3 : i32
    %eq3A_734 = arith.cmpi eq, %arg0, %eq3A_733 : i32
    %convert_element_type3A_735 = arith.extui %eq3A_734 : i1 to i32
    %cond3A_736 = arith.constant 0 : i32
    %cond3A_737 = arith.cmpi ne, %convert_element_type3A_735, %cond3A_736 : i32
    scf.if %cond3A_737 {
      %get3A_738 = arith.constant 0 : index
      %get3A_739 = memref.load %arg4[%get3A_738] : memref<1xf32, #tpu.memory_space<smem>>
      %div3A = arith.constant 1.024000e+03 : f32
      %div3A_740 = arith.divf %get3A_739, %div3A : f32
      %swap3A_741 = arith.constant 0 : index
      %swap3A_742 = memref.load %arg3[%swap3A_741] : memref<1xf32, #tpu.memory_space<smem>>
      memref.store %div3A_740, %arg3[%swap3A_741] : memref<1xf32, #tpu.memory_space<smem>>
    } else {
    }
    return
  }
  func.func @transform_0(%arg0: i32) -> (i32, i32) {
    %c0_i32 = arith.constant 0 : i32
    %c0_i32_0 = arith.constant 0 : i32
    return %arg0, %c0_i32 : i32, i32
  }
  func.func @transform_1(%arg0: i32) -> (i32, i32) {
    %c0_i32 = arith.constant 0 : i32
    %c0_i32_0 = arith.constant 0 : i32
    return %arg0, %c0_i32 : i32, i32
  }
  func.func @transform_2(%arg0: i32) -> i32 {
    %c0_i32 = arith.constant 0 : i32
    %c0_i32_0 = arith.constant 0 : i32
    return %c0_i32 : i32
  }
}

module attributes {stable_mosaic.version = 14 : i64} {
  func.func @_u_body(%arg0: i32, %arg1: memref<256x128xf32, #tpu.memory_space<vmem>>, %arg2: memref<128x512xf32, #tpu.memory_space<vmem>>, %arg3: memref<1x512xf32, #tpu.memory_space<vmem>>, %arg4: memref<8x128xf32, #tpu.memory_space<vmem>>, %arg5: memref<512x512xf32, #tpu.memory_space<vmem>>, %arg6: memref<256x4096xf32, #tpu.memory_space<vmem>>) attributes {dimension_semantics = [#tpu.dimension_semantics<arbitrary>], iteration_bounds = array<i64: 4>, scalar_prefetch = 0 : i64, scratch_operands = 0 : i64, tpu.core_type = #tpu.core_type<tc>, window_params = [{transform_indices = @transform_0, window_bounds = array<i64: 256, 128>}, {pipeline_mode = #tpu.pipeline_mode<synchronous>, transform_indices = @transform_1, window_bounds = array<i64: 128, 512>}, {pipeline_mode = #tpu.pipeline_mode<synchronous>, transform_indices = @transform_2, window_bounds = array<i64: 1, 512>}, {pipeline_mode = #tpu.pipeline_mode<synchronous>, transform_indices = @transform_3, window_bounds = array<i64: 8, 128>}, {pipeline_mode = #tpu.pipeline_mode<synchronous>, transform_indices = @transform_4, window_bounds = array<i64: 512, 512>}, {transform_indices = @transform_5, window_bounds = array<i64: 256, 4096>}]} {
    %get3A = arith.constant 0 : index
    %get3A_0 = arith.constant 0 : index
    %get3A_1 = vector.load %arg1[%get3A, %get3A_0] : memref<256x128xf32, #tpu.memory_space<vmem>>, vector<256x128xf32>
    %get3A_2 = arith.constant 0 : index
    %get3A_3 = arith.constant 0 : index
    %get3A_4 = vector.load %arg2[%get3A_2, %get3A_3] : memref<128x512xf32, #tpu.memory_space<vmem>>, vector<128x512xf32>
    %get3A_5 = arith.constant 0 : index
    %get3A_6 = arith.constant 0 : index
    %get3A_7 = vector.load %arg3[%get3A_5, %get3A_6] : memref<1x512xf32, #tpu.memory_space<vmem>>, vector<1x512xf32>
    %get3A_8 = arith.constant 0 : index
    %get3A_9 = arith.constant 0 : index
    %get3A_10 = vector.load %arg4[%get3A_8, %get3A_9] : memref<8x128xf32, #tpu.memory_space<vmem>>, vector<8x128xf32>
    %get3A_11 = arith.constant 0 : index
    %get3A_12 = arith.constant 0 : index
    %get3A_13 = vector.load %arg5[%get3A_11, %get3A_12] : memref<512x512xf32, #tpu.memory_space<vmem>>, vector<512x512xf32>
    %dot_general3A = arith.constant dense<0.000000e+00> : vector<256x512xf32>
    %dot_general3A_14 = tpu.matmul %get3A_1, %get3A_4, %dot_general3A {dimension_numbers = #tpu.dot_dimension_numbers<[1], [0], [0], [1], [0, 0, 1, 1], [], []>, transpose_lhs_hint = false} : vector<256x128xf32>, vector<128x512xf32>, vector<256x512xf32> -> vector<256x512xf32>
    %add3A = vector.broadcast %get3A_7 : vector<1x512xf32> to vector<256x512xf32>
    %add3A_15 = arith.addf %dot_general3A_14, %add3A : vector<256x512xf32>
    %tanh3A = math.tanh %add3A_15 : vector<256x512xf32>
    %mul3A = arith.mulf %tanh3A, %tanh3A : vector<256x512xf32>
    %sub3A = arith.constant 1.000000e+00 : f32
    %sub3A_16 = vector.broadcast %sub3A : f32 to vector<256x512xf32>
    %sub3A_17 = arith.subf %sub3A_16, %mul3A : vector<256x512xf32>
    %slice3A = vector.extract_strided_slice %get3A_10 {offsets = [0, 0], sizes = [1, 128], strides = [1, 1]} : vector<8x128xf32> to vector<1x128xf32>
    %dot_general3A_18 = arith.constant dense<0.000000e+00> : vector<1x512xf32>
    %dot_general3A_19 = tpu.matmul %slice3A, %get3A_4, %dot_general3A_18 {dimension_numbers = #tpu.dot_dimension_numbers<[1], [0], [0], [1], [0, 0, 1, 1], [], []>, transpose_lhs_hint = false} : vector<1x128xf32>, vector<128x512xf32>, vector<1x512xf32> -> vector<1x512xf32>
    %mul3A_20 = vector.broadcast %dot_general3A_19 : vector<1x512xf32> to vector<256x512xf32>
    %mul3A_21 = arith.mulf %sub3A_17, %mul3A_20 : vector<256x512xf32>
    %dot_general3A_22 = arith.constant dense<0.000000e+00> : vector<256x512xf32>
    %dot_general3A_23 = tpu.matmul %mul3A_21, %get3A_13, %dot_general3A_22 {dimension_numbers = #tpu.dot_dimension_numbers<[1], [0], [0], [1], [0, 0, 1, 1], [], []>, transpose_lhs_hint = false} : vector<256x512xf32>, vector<512x512xf32>, vector<256x512xf32> -> vector<256x512xf32>
    %swap3A = arith.constant 0 : index
    %swap3A_24 = arith.constant 0 : index
    %swap3A_25 = vector.load %arg6[%swap3A, %swap3A_24] : memref<256x4096xf32, #tpu.memory_space<vmem>>, vector<256x512xf32>
    tpu.vector_store %arg6[%swap3A, %swap3A_24], %dot_general3A_23 {strides = array<i32>} : memref<256x4096xf32, #tpu.memory_space<vmem>>, vector<256x512xf32>,
    %slice3A_26 = vector.extract_strided_slice %get3A_10 {offsets = [1, 0], sizes = [1, 128], strides = [1, 1]} : vector<8x128xf32> to vector<1x128xf32>
    %dot_general3A_27 = arith.constant dense<0.000000e+00> : vector<1x512xf32>
    %dot_general3A_28 = tpu.matmul %slice3A_26, %get3A_4, %dot_general3A_27 {dimension_numbers = #tpu.dot_dimension_numbers<[1], [0], [0], [1], [0, 0, 1, 1], [], []>, transpose_lhs_hint = false} : vector<1x128xf32>, vector<128x512xf32>, vector<1x512xf32> -> vector<1x512xf32>
    %mul3A_29 = vector.broadcast %dot_general3A_28 : vector<1x512xf32> to vector<256x512xf32>
    %mul3A_30 = arith.mulf %sub3A_17, %mul3A_29 : vector<256x512xf32>
    %dot_general3A_31 = arith.constant dense<0.000000e+00> : vector<256x512xf32>
    %dot_general3A_32 = tpu.matmul %mul3A_30, %get3A_13, %dot_general3A_31 {dimension_numbers = #tpu.dot_dimension_numbers<[1], [0], [0], [1], [0, 0, 1, 1], [], []>, transpose_lhs_hint = false} : vector<256x512xf32>, vector<512x512xf32>, vector<256x512xf32> -> vector<256x512xf32>
    %swap3A_33 = arith.constant 0 : index
    %swap3A_34 = arith.constant 512 : index
    %swap3A_35 = vector.load %arg6[%swap3A_33, %swap3A_34] : memref<256x4096xf32, #tpu.memory_space<vmem>>, vector<256x512xf32>
    tpu.vector_store %arg6[%swap3A_33, %swap3A_34], %dot_general3A_32 {strides = array<i32>} : memref<256x4096xf32, #tpu.memory_space<vmem>>, vector<256x512xf32>,
    %slice3A_36 = vector.extract_strided_slice %get3A_10 {offsets = [2, 0], sizes = [1, 128], strides = [1, 1]} : vector<8x128xf32> to vector<1x128xf32>
    %dot_general3A_37 = arith.constant dense<0.000000e+00> : vector<1x512xf32>
    %dot_general3A_38 = tpu.matmul %slice3A_36, %get3A_4, %dot_general3A_37 {dimension_numbers = #tpu.dot_dimension_numbers<[1], [0], [0], [1], [0, 0, 1, 1], [], []>, transpose_lhs_hint = false} : vector<1x128xf32>, vector<128x512xf32>, vector<1x512xf32> -> vector<1x512xf32>
    %mul3A_39 = vector.broadcast %dot_general3A_38 : vector<1x512xf32> to vector<256x512xf32>
    %mul3A_40 = arith.mulf %sub3A_17, %mul3A_39 : vector<256x512xf32>
    %dot_general3A_41 = arith.constant dense<0.000000e+00> : vector<256x512xf32>
    %dot_general3A_42 = tpu.matmul %mul3A_40, %get3A_13, %dot_general3A_41 {dimension_numbers = #tpu.dot_dimension_numbers<[1], [0], [0], [1], [0, 0, 1, 1], [], []>, transpose_lhs_hint = false} : vector<256x512xf32>, vector<512x512xf32>, vector<256x512xf32> -> vector<256x512xf32>
    %swap3A_43 = arith.constant 0 : index
    %swap3A_44 = arith.constant 1024 : index
    %swap3A_45 = vector.load %arg6[%swap3A_43, %swap3A_44] : memref<256x4096xf32, #tpu.memory_space<vmem>>, vector<256x512xf32>
    tpu.vector_store %arg6[%swap3A_43, %swap3A_44], %dot_general3A_42 {strides = array<i32>} : memref<256x4096xf32, #tpu.memory_space<vmem>>, vector<256x512xf32>,
    %slice3A_46 = vector.extract_strided_slice %get3A_10 {offsets = [3, 0], sizes = [1, 128], strides = [1, 1]} : vector<8x128xf32> to vector<1x128xf32>
    %dot_general3A_47 = arith.constant dense<0.000000e+00> : vector<1x512xf32>
    %dot_general3A_48 = tpu.matmul %slice3A_46, %get3A_4, %dot_general3A_47 {dimension_numbers = #tpu.dot_dimension_numbers<[1], [0], [0], [1], [0, 0, 1, 1], [], []>, transpose_lhs_hint = false} : vector<1x128xf32>, vector<128x512xf32>, vector<1x512xf32> -> vector<1x512xf32>
    %mul3A_49 = vector.broadcast %dot_general3A_48 : vector<1x512xf32> to vector<256x512xf32>
    %mul3A_50 = arith.mulf %sub3A_17, %mul3A_49 : vector<256x512xf32>
    %dot_general3A_51 = arith.constant dense<0.000000e+00> : vector<256x512xf32>
    %dot_general3A_52 = tpu.matmul %mul3A_50, %get3A_13, %dot_general3A_51 {dimension_numbers = #tpu.dot_dimension_numbers<[1], [0], [0], [1], [0, 0, 1, 1], [], []>, transpose_lhs_hint = false} : vector<256x512xf32>, vector<512x512xf32>, vector<256x512xf32> -> vector<256x512xf32>
    %swap3A_53 = arith.constant 0 : index
    %swap3A_54 = arith.constant 1536 : index
    %swap3A_55 = vector.load %arg6[%swap3A_53, %swap3A_54] : memref<256x4096xf32, #tpu.memory_space<vmem>>, vector<256x512xf32>
    tpu.vector_store %arg6[%swap3A_53, %swap3A_54], %dot_general3A_52 {strides = array<i32>} : memref<256x4096xf32, #tpu.memory_space<vmem>>, vector<256x512xf32>,
    %slice3A_56 = vector.extract_strided_slice %get3A_10 {offsets = [4, 0], sizes = [1, 128], strides = [1, 1]} : vector<8x128xf32> to vector<1x128xf32>
    %dot_general3A_57 = arith.constant dense<0.000000e+00> : vector<1x512xf32>
    %dot_general3A_58 = tpu.matmul %slice3A_56, %get3A_4, %dot_general3A_57 {dimension_numbers = #tpu.dot_dimension_numbers<[1], [0], [0], [1], [0, 0, 1, 1], [], []>, transpose_lhs_hint = false} : vector<1x128xf32>, vector<128x512xf32>, vector<1x512xf32> -> vector<1x512xf32>
    %mul3A_59 = vector.broadcast %dot_general3A_58 : vector<1x512xf32> to vector<256x512xf32>
    %mul3A_60 = arith.mulf %sub3A_17, %mul3A_59 : vector<256x512xf32>
    %dot_general3A_61 = arith.constant dense<0.000000e+00> : vector<256x512xf32>
    %dot_general3A_62 = tpu.matmul %mul3A_60, %get3A_13, %dot_general3A_61 {dimension_numbers = #tpu.dot_dimension_numbers<[1], [0], [0], [1], [0, 0, 1, 1], [], []>, transpose_lhs_hint = false} : vector<256x512xf32>, vector<512x512xf32>, vector<256x512xf32> -> vector<256x512xf32>
    %swap3A_63 = arith.constant 0 : index
    %swap3A_64 = arith.constant 2048 : index
    %swap3A_65 = vector.load %arg6[%swap3A_63, %swap3A_64] : memref<256x4096xf32, #tpu.memory_space<vmem>>, vector<256x512xf32>
    tpu.vector_store %arg6[%swap3A_63, %swap3A_64], %dot_general3A_62 {strides = array<i32>} : memref<256x4096xf32, #tpu.memory_space<vmem>>, vector<256x512xf32>,
    %slice3A_66 = vector.extract_strided_slice %get3A_10 {offsets = [5, 0], sizes = [1, 128], strides = [1, 1]} : vector<8x128xf32> to vector<1x128xf32>
    %dot_general3A_67 = arith.constant dense<0.000000e+00> : vector<1x512xf32>
    %dot_general3A_68 = tpu.matmul %slice3A_66, %get3A_4, %dot_general3A_67 {dimension_numbers = #tpu.dot_dimension_numbers<[1], [0], [0], [1], [0, 0, 1, 1], [], []>, transpose_lhs_hint = false} : vector<1x128xf32>, vector<128x512xf32>, vector<1x512xf32> -> vector<1x512xf32>
    %mul3A_69 = vector.broadcast %dot_general3A_68 : vector<1x512xf32> to vector<256x512xf32>
    %mul3A_70 = arith.mulf %sub3A_17, %mul3A_69 : vector<256x512xf32>
    %dot_general3A_71 = arith.constant dense<0.000000e+00> : vector<256x512xf32>
    %dot_general3A_72 = tpu.matmul %mul3A_70, %get3A_13, %dot_general3A_71 {dimension_numbers = #tpu.dot_dimension_numbers<[1], [0], [0], [1], [0, 0, 1, 1], [], []>, transpose_lhs_hint = false} : vector<256x512xf32>, vector<512x512xf32>, vector<256x512xf32> -> vector<256x512xf32>
    %swap3A_73 = arith.constant 0 : index
    %swap3A_74 = arith.constant 2560 : index
    %swap3A_75 = vector.load %arg6[%swap3A_73, %swap3A_74] : memref<256x4096xf32, #tpu.memory_space<vmem>>, vector<256x512xf32>
    tpu.vector_store %arg6[%swap3A_73, %swap3A_74], %dot_general3A_72 {strides = array<i32>} : memref<256x4096xf32, #tpu.memory_space<vmem>>, vector<256x512xf32>,
    %slice3A_76 = vector.extract_strided_slice %get3A_10 {offsets = [6, 0], sizes = [1, 128], strides = [1, 1]} : vector<8x128xf32> to vector<1x128xf32>
    %dot_general3A_77 = arith.constant dense<0.000000e+00> : vector<1x512xf32>
    %dot_general3A_78 = tpu.matmul %slice3A_76, %get3A_4, %dot_general3A_77 {dimension_numbers = #tpu.dot_dimension_numbers<[1], [0], [0], [1], [0, 0, 1, 1], [], []>, transpose_lhs_hint = false} : vector<1x128xf32>, vector<128x512xf32>, vector<1x512xf32> -> vector<1x512xf32>
    %mul3A_79 = vector.broadcast %dot_general3A_78 : vector<1x512xf32> to vector<256x512xf32>
    %mul3A_80 = arith.mulf %sub3A_17, %mul3A_79 : vector<256x512xf32>
    %dot_general3A_81 = arith.constant dense<0.000000e+00> : vector<256x512xf32>
    %dot_general3A_82 = tpu.matmul %mul3A_80, %get3A_13, %dot_general3A_81 {dimension_numbers = #tpu.dot_dimension_numbers<[1], [0], [0], [1], [0, 0, 1, 1], [], []>, transpose_lhs_hint = false} : vector<256x512xf32>, vector<512x512xf32>, vector<256x512xf32> -> vector<256x512xf32>
    %swap3A_83 = arith.constant 0 : index
    %swap3A_84 = arith.constant 3072 : index
    %swap3A_85 = vector.load %arg6[%swap3A_83, %swap3A_84] : memref<256x4096xf32, #tpu.memory_space<vmem>>, vector<256x512xf32>
    tpu.vector_store %arg6[%swap3A_83, %swap3A_84], %dot_general3A_82 {strides = array<i32>} : memref<256x4096xf32, #tpu.memory_space<vmem>>, vector<256x512xf32>,
    %slice3A_86 = vector.extract_strided_slice %get3A_10 {offsets = [7, 0], sizes = [1, 128], strides = [1, 1]} : vector<8x128xf32> to vector<1x128xf32>
    %dot_general3A_87 = arith.constant dense<0.000000e+00> : vector<1x512xf32>
    %dot_general3A_88 = tpu.matmul %slice3A_86, %get3A_4, %dot_general3A_87 {dimension_numbers = #tpu.dot_dimension_numbers<[1], [0], [0], [1], [0, 0, 1, 1], [], []>, transpose_lhs_hint = false} : vector<1x128xf32>, vector<128x512xf32>, vector<1x512xf32> -> vector<1x512xf32>
    %mul3A_89 = vector.broadcast %dot_general3A_88 : vector<1x512xf32> to vector<256x512xf32>
    %mul3A_90 = arith.mulf %sub3A_17, %mul3A_89 : vector<256x512xf32>
    %dot_general3A_91 = arith.constant dense<0.000000e+00> : vector<256x512xf32>
    %dot_general3A_92 = tpu.matmul %mul3A_90, %get3A_13, %dot_general3A_91 {dimension_numbers = #tpu.dot_dimension_numbers<[1], [0], [0], [1], [0, 0, 1, 1], [], []>, transpose_lhs_hint = false} : vector<256x512xf32>, vector<512x512xf32>, vector<256x512xf32> -> vector<256x512xf32>
    %swap3A_93 = arith.constant 0 : index
    %swap3A_94 = arith.constant 3584 : index
    %swap3A_95 = vector.load %arg6[%swap3A_93, %swap3A_94] : memref<256x4096xf32, #tpu.memory_space<vmem>>, vector<256x512xf32>
    tpu.vector_store %arg6[%swap3A_93, %swap3A_94], %dot_general3A_92 {strides = array<i32>} : memref<256x4096xf32, #tpu.memory_space<vmem>>, vector<256x512xf32>,
    return
  }
  func.func @transform_0(%arg0: i32) -> (i32, i32) {
    %c0_i32 = arith.constant 0 : i32
    %c0_i32_0 = arith.constant 0 : i32
    return %arg0, %c0_i32 : i32, i32
  }
  func.func @transform_1(%arg0: i32) -> (i32, i32) {
    %c0_i32 = arith.constant 0 : i32
    %c0_i32_0 = arith.constant 0 : i32
    %c0_i32_1 = arith.constant 0 : i32
    return %c0_i32, %c0_i32_0 : i32, i32
  }
  func.func @transform_2(%arg0: i32) -> (i32, i32) {
    %c0_i32 = arith.constant 0 : i32
    %c0_i32_0 = arith.constant 0 : i32
    %c0_i32_1 = arith.constant 0 : i32
    return %c0_i32, %c0_i32_0 : i32, i32
  }
  func.func @transform_3(%arg0: i32) -> (i32, i32) {
    %c0_i32 = arith.constant 0 : i32
    %c0_i32_0 = arith.constant 0 : i32
    %c0_i32_1 = arith.constant 0 : i32
    return %c0_i32, %c0_i32_0 : i32, i32
  }
  func.func @transform_4(%arg0: i32) -> (i32, i32) {
    %c0_i32 = arith.constant 0 : i32
    %c0_i32_0 = arith.constant 0 : i32
    %c0_i32_1 = arith.constant 0 : i32
    return %c0_i32, %c0_i32_0 : i32, i32
  }
  func.func @transform_5(%arg0: i32) -> (i32, i32) {
    %c0_i32 = arith.constant 0 : i32
    %c0_i32_0 = arith.constant 0 : i32
    return %arg0, %c0_i32 : i32, i32
  }
}

</mosaic_0001>

<sc_bundles>
// kernel: kernel.6.cloned.1.call-start
scs
__scs_entry_jumppad:
0x0: {  	(pc) =	sbr.rel $0x88, $3  }
0x1: {  	(tag) =	ssettag $0x0;
	lr =	simm.s32 $0x1  }
0x2: {  	[smem:$0x3F9A] =	sst lr;
	_ =	strace $0xD0000000  }
0x3: {  	_ = 	snop  }
0x4: {  	_ = 	snop  }
0x5: {  	_ = 	snop  }
0x6: {  	_ = 	snop  }
0x7: {  	_ = 	snop  }
__scs_overlays_trampoline_lowered:
0x8: {  	[smem:$0x3FA9] =	sst s0  }
0x9: {  	[smem:$0x3FAA] =	sst s1  }
0xa: {  	[smem:$0x3FAB] =	sst s2  }
0xb: {  	[smem:$0x3FAC] =	sst s3  }
0xc: {  	[smem:$0x3FAD] =	sst s4  }
0xd: {  	[smem:$0x3FAE] =	sst s5  }
0xe: {  	[smem:$0x3FAF] =	sst s6  }
0xf: {  	[smem:$0x3FB0] =	sst s7  }
0x10: {  	[smem:$0x3FB1] =	sst s8  }
0x11: {  	[smem:$0x3FB2] =	sst s9;
	s0 =	simm.s32 @!p0 $0x0  }
0x12: {  	s1 =	sld [smem:$0x3F98];
	s0 =	simm.s32 @p0 $0x1  }
0x13: {  	[smem:$0x3FB3] =	sst s0;
	s0 =	simm.s32 @!p1 $0x0  }
0x14: {  	s2 =	sld [smem:$0x3F97];
	s0 =	simm.s32 @p1 $0x1  }
0x15: {  	[smem:$0x3FB4] =	sst s0;
	s0 =	simm.s32 @!p2 $0x0  }
0x16: {  	s3 =	sld [smem:$0x3FDB];
	s0 =	simm.s32 @p2 $0x1  }
0x17: {  	s4 =	simm.s32 $0x1BF5;
	[smem:$0x3FB6] =	sst s0  }
0x18: {  	s0 =	sld [smem:$0x3F99];
	_ =	swait.ge [sflag:s4], $0x0  }
0x19: {  	s7 =	sld [smem:$0x3F9A]  }
0x1a: {  	s8 =	sadd.s32 $0xFFFFE003, lr  }
0x1b: {  	s9 =	sadd.s32 $0xFFFFFEF7, lr;
	s5 =	simm.s32 $0xFFFFFFFF;
	p2 =	slt.u32 s8, $0xFFFFF086  }
0x1c: {  	p1 =	slt.u32 s9, $0xF7A;
	s5 =	simm.s32 @!p2 $0x0  }
0x1d: {  	s5 =	simm.s32 @p1 $0x1;
	p0 =	seq.s32 s7, s2  }
0x1e: {  	s7 =	smul.u32 @!p0 $0xF7A, s2;
	p2 =	seq.s32 @!p0 s5, $0x0  }
0x1f: {  	s9 =	smul.u32 $0xF7A, s1;
	s8 =	simm.s32 @!p0 $0x1BF5;
	p2 =	por !p2, p0  }
0x20: {  	[sflag:s8] =	ssyncset.s32 @!p0 $0xFFFFF086;
	s6 =	sadd.s32 @!p0 s3, s7;
	s7 =	simm.s32 @!p0 $0x108  }
0x21: {  	s3 =	sadd.s32 s3, s9;
	s6 =	sadd.s32 @!p0 $0x88, s6;
	s7 =	simm.s32 @p2 $0x1082  }
0x22: {  	[simem:s7], [sflag:s8] =	dma.local @!p0 [hbm:s6], $0xF7A  }
0x23: {  	s9 =	sor.u32 $0xD0000000, s2;
	s6 =	simm.s32 $0x108;
	_ =	swait.ge @!p0 [sflag:s8], $0x0  }
0x24: {  	s3 =	sadd.s32 $0x88, s3;
	s6 =	simm.s32 @!p1 $0x1082;
	[sflag:s4] =	ssyncset.s32 $0xFFFFF086  }
0x25: {  	[simem:s6], [sflag:s4] =	dma.local [hbm:s3], $0xF7A  }
0x26: {  	[smem:$0x3F9A] =	sst s1;
	(tag) =	ssettag s2;
	_ =	strace s9  }
0x27: {  	s1 =	sld [smem:$0x3FAA]  }
0x28: {  	s2 =	sld [smem:$0x3FAB]  }
0x29: {  	s4 =	sld [smem:$0x3FAD]  }
0x2a: {  	p0 =	seq.s32 s5, $0x0;
	s5 =	sld [smem:$0x3FAE]  }
0x2b: {  	s6 =	sld [smem:$0x3FAF]  }
0x2c: {  	s7 =	sld [smem:$0x3FB0]  }
0x2d: {  	s3 =	simm.s32 $0x108;
	s8 =	sld [smem:$0x3FB1]  }
0x2e: {  	s3 =	simm.s32 @!p0 $0x1082;
	s9 =	sld [smem:$0x3FB2]  }
0x2f: {  	lr =	sadd.s32 s0, s3;
	s0 =	sld [smem:$0x3FA9]  }
0x30: {  	s3 =	sld [smem:$0x3FAC]  }
0x31: {  	[smem:$0x3FB5] =	sst s10  }
0x32: {  	s10 =	sld [smem:$0x3FB3];
	_ =	sdelay $0x3  }
0x33: {  	p0 =	seq.s32 s10, $0x1;
	s10 =	sld [smem:$0x3FB5];
	_ =	sdelay $0x3  }
0x34: {  	[smem:$0x3FB5] =	sst s10  }
0x35: {  	s10 =	sld [smem:$0x3FB4];
	_ =	sdelay $0x3  }
0x36: {  	p1 =	seq.s32 s10, $0x1;
	s10 =	sld [smem:$0x3FB5];
	_ =	sdelay $0x3  }
0x37: {  	[smem:$0x3FB5] =	sst s10  }
0x38: {  	s10 =	sld [smem:$0x3FB6]  }
0x39: {  	_ = 	snop;
	(pc) =	sbr.ind lr, $3  }
0x3a: {  	_ = 	snop  }
0x3b: {  	_ = 	snop  }
0x3c: {  	p2 =	seq.s32 s10, $0x1;
	s10 =	sld [smem:$0x3FB5]  }
0x3d: {  	_ =	shalt  }
0x3e: {  	_ =	shalt  }
0x3f: {  	_ =	shalt  }
0x40: {  	_ =	shalt  }
0x41: {  	_ =	shalt  }
0x42: {  	_ =	shalt  }
0x43: {  	_ =	shalt  }
0x44: {  	_ =	shalt  }
0x45: {  	_ =	shalt  }
0x46: {  	_ =	shalt  }
0x47: {  	_ =	shalt  }
0x48: {  	_ =	shalt  }
0x49: {  	_ =	shalt  }
0x4a: {  	_ =	shalt  }
0x4b: {  	_ =	shalt  }
0x4c: {  	_ =	shalt  }
0x4d: {  	_ =	shalt  }
0x4e: {  	_ =	shalt  }
0x4f: {  	_ =	shalt  }
0x50: {  	_ =	shalt  }
0x51: {  	_ =	shalt  }
0x52: {  	_ =	shalt  }
0x53: {  	_ =	shalt  }
0x54: {  	_ =	shalt  }
0x55: {  	_ =	shalt  }
0x56: {  	_ =	shalt  }
0x57: {  	_ =	shalt  }
0x58: {  	_ =	shalt  }
0x59: {  	_ =	shalt  }
0x5a: {  	_ =	shalt  }
0x5b: {  	_ =	shalt  }
0x5c: {  	_ =	shalt  }
0x5d: {  	_ =	shalt  }
0x5e: {  	_ =	shalt  }
0x5f: {  	_ =	shalt  }
0x60: {  	_ =	shalt  }
0x61: {  	_ =	shalt  }
0x62: {  	_ =	shalt  }
0x63: {  	_ =	shalt  }
0x64: {  	_ =	shalt  }
0x65: {  	_ =	shalt  }
0x66: {  	_ =	shalt  }
0x67: {  	_ =	shalt  }
0x68: {  	_ =	shalt  }
0x69: {  	_ =	shalt  }
0x6a: {  	_ =	shalt  }
0x6b: {  	_ =	shalt  }
0x6c: {  	_ =	shalt  }
0x6d: {  	_ =	shalt  }
0x6e: {  	_ =	shalt  }
0x6f: {  	_ =	shalt  }
0x70: {  	_ =	shalt  }
0x71: {  	_ =	shalt  }
0x72: {  	_ =	shalt  }
0x73: {  	_ =	shalt  }
0x74: {  	_ =	shalt  }
0x75: {  	_ =	shalt  }
0x76: {  	_ =	shalt  }
0x77: {  	_ =	shalt  }
0x78: {  	_ =	shalt  }
0x79: {  	_ =	shalt  }
0x7a: {  	_ =	shalt  }
0x7b: {  	_ =	shalt  }
0x7c: {  	_ =	shalt  }
0x7d: {  	_ =	shalt  }
0x7e: {  	_ =	shalt  }
0x7f: {  	_ =	shalt  }
0x80: {  	_ =	shalt  }
0x81: {  	_ =	shalt  }
0x82: {  	_ =	shalt  }
0x83: {  	_ =	shalt  }
0x84: {  	_ =	shalt  }
0x85: {  	_ =	shalt  }
0x86: {  	_ =	shalt  }
0x87: {  	_ =	shalt  }
.Lfunc_end0:
.L_simem_size_0:
called_computation_lowered:
.L_overlay_start_0:
0x88: {  	s2 =	sld [smem:$0x3FD9]  }
0x89: {  	s3 =	sld [smem:$0x3FFE];
	_ =	sdelay $0x1  }
0x8a: {  	s1 =	srdreg.scid  }
0x8b: {  	s0 =	sand.u32 $0x1, s1  }
0x8c: {  	s17 =	sshll.u32 s0, $0xA;
	s2 =	sadd.s32 s3, s2  }
0x8d: {  	s2 =	sadd.s32 s2, s17  }
0x8e: {  	[smem:$0x3FC1] =	sst s2  }
0x8f: {  	_ = 	snop  }
0x90: {  	s2 =	sld [smem:$0x3FC6];
	(tm) =	ssettm $0x1  }
0x91: {  	s18 =	sld [smem:$0x3FFB];
	_ =	sdelay $0x3  }
0x92: {  	_ =	strace s18  }
0x93: {  	s3 =	sld [smem:$0x3FFC];
	_ =	sdelay $0x3  }
0x94: {  	_ =	strace s3  }
0x95: {  	s3 =	sld [smem:$0x3FFD];
	_ =	sdelay $0x3  }
0x96: {  	_ =	strace s3  }
0x97: {  	_ =	strace $0x8FFFFFFF  }
0x98: {  	s19 =	sld [smem:$0x3FDB];
	_ =	sdelay $0x1  }
0x99: {  	s4 =	simm.s32 $_scs_section_size  }
0x9a: {  	s5 =	simm.s32 $_size__tile_overlayer_lowered;
	s6 =	simm.s32 $_tile_overlayer_lowered  }
0x9b: {  	s22 =	simm.s32 $0x1BFF;
	s21 =	sshll.u32 s6, $0x1;
	s3 =	sadd.s32 s4, s19  }
0x9c: {  	s7 =	simm.s32 $0x0;
	s20 =	sshll.u32 s5, $0x1;
	s5 =	sadd.s32 s21, s3  }
0x9d: {  	[timem:s7], [sflag:s22] =	dma.local [hbm:s5], s20  }
0x9e: {  	_ =	swait.ge [sflag:s22], s20  }
0x9f: {  	s4 =	ssub.s32 $0x0, s20;
	[sflag:s22] =	ssyncset.done $0x0  }
0xa0: {  	[sflag:s22] =	ssyncadd.s32 s4;
	_ =	sdelay $0x1  }
0xa1: {  	s23 =	simm.s32 $0x1B8B  }
0xa2: {  	_ =	swait.ge [sflag:s23], $0x1  }
0xa3: {  	[sflag:s23] =	ssyncset.done $0x0  }
0xa4: {  	s25 =	simm.s32 $0x1B8E;
	s24 =	sld [smem:$0x3FFE];
	[sflag:s23] =	ssyncadd.s32 $0xFFFFFFFF  }
0xa5: {  	s26 =	simm.s32 $execute0_lowered;
	[smem:$0x3FD2] =	sst s25  }
0xa6: {  	s5 =	sshll.u32 s26, $0x1;
	_ =	strace $0x80000046;
	[dreg:$0x1] =	wrdreg $0xFFFFFFFF  }
0xa7: {  	s28 =	simm.s32 $_size_execute0_lowered;
	s3 =	sadd.s32 s3, s5;
	[dreg:$0x0] =	wrdreg $0x0  }
0xa8: {  	s5 =	sshll.u32 s28, $0x1;
	[dreg:$0x2] =	wrdreg s3  }
0xa9: {  	[dreg:$0x3] =	wrdreg s5  }
0xaa: {  	[dreg:$0x4] =	wrdreg $0xC0  }
0xab: {  	_ =	task [dreg:s7], $0x5FFFF  }
0xac: {  	[dreg:$0x1] =	wrdreg $0xFFFFFFFF  }
0xad: {  	[dreg:$0x0] =	wrdreg $0x60  }
0xae: {  	[dreg:$0x2] =	wrdreg s2  }
0xaf: {  	[dreg:$0x3] =	wrdreg s24  }
0xb0: {  	[dreg:$0x4] =	wrdreg $0x9  }
0xb1: {  	_ =	task.clear_ibuf [dreg:s7], $0x5FFFF;
	_ =	strace $0x90000046  }
0xb2: {  	s29 =	simm.s32 $0x9;
	_ =	strace $0x80000048  }
0xb3: {  	_ =	swait.ge [sflag:s29], $0x1  }
0xb4: {  	[sflag:s29] =	ssyncadd.s32 $0xFFFFFFFF  }
0xb5: {  	_ =	strace $0x90000048  }
0xb6: {  	_ =	sfence  }
0xb7: {  	s30 =	sld [smem:$0x0];
	_ =	sdelay $0x2  }
0xb8: {  	s31 =	sshll.u32 s1, $0xD;
	s1 =	sshrl.u32 s1, $0x2  }
0xb9: {  	s3 =	sand.u32 $0x4000, s31;
	s1 =	sadd.s32 s1, s30  }
0xba: {  	s0 =	sor.u32 s3, s0;
	s1 =	sshll.u32 s1, $0x11  }
0xbb: {  	s0 =	sor.u32 s1, s0  }
0xbc: {  	s0 =	sadd.s32 $0x8F2B, s0  }
0xbd: {  	[sflag:s0] =	ssyncadd.remote.s32 $0x1  }
0xbe: {  	_ =	sfence.sel $0xFFFF  }
0xbf: {  	[dreg:$0x0] =	wrdreg $0xFFFFFFFF;
	(pc) =	sbr.abs _section_cstart, $3  }
0xc0: {  	[dreg:$0x1] =	wrdreg $0xFFFFFFFF  }
0xc1: {  	_ =	task.clear_ibuf [dreg:s7], $0x2FFFF;
	_ =	strace $0x9FFFFFFF  }
0xc2: {  	(tm) =	ssettm $0x7FFFFFFF  }
0xc3: {  	_ =	shalt  }
tec
execute0_lowered:
.L_overlay_start_1:
0x0: {  	(tag) =	ssettag $0x1  }
0x1: {  	s1 =	rddreg [dreg:$0x0]  }
0x2: {  	s4 =	rddreg [dreg:$0x1]  }
0x3: {  	s0 =	rddreg [dreg:$0x2];
	s3 =	simm.s32 $0x0;
	s5 =	srdreg.scid  }
0x4: {  	s2 =	stileid.u32;
	s10 =	simm.s32 $0x3;
	s11 =	simm.s32 $0x80  }
0x5: {  	s12 =	simm.s32 $0x8080;
	s13 =	simm.s32 $0x1;
	s14 =	simm.s32 $0x2  }
0x6: {  	[smem:$0x7FF] =	sst s3;
	s5 =	sand.u32 $0x1, s5;
	s6 =	sshll.u32 s2, $0x1  }
0x7: {  	_ =	strace $0x80000047;
	s6 =	sor.u32 s5, s6;
	s5 =	ssub.s32 $0x2, s5  }
0x8: {  	s7 =	sshll.u32 s6, $0x4;
	s6 =	sshll.u32 s6, $0xE;
	s31 =	sshrl.u32 s5, $0x1  }
0x9: {  	s7 =	sadd.s32 s7, s4;
	s8 =	sadd.s32 s6, s4;
	s9 =	ssub.s32 s5, s31  }
0xa: {  	s4 =	sadd.s32 $0x1000, s7;
	s5 =	sadd.s32 $0x1200, s8;
	s6 =	sadd.s32 $0x2200, s8  }
0xb: {  	vm0 =	vmmov $0xff;
	v0 =	vlaneseq.u32;
	s7 =	sadd.s32 $0x3200, s8;
	s8 =	sadd.s32 $0x4200, s8;
	s9 =	smax.u32 s9, $0x1  }
.LBB2_1:
0xc: {  	[tilespmem:s3], [sflag:$0x3] =	stream.linear.gather [hbm4b:s4+s3], $0x80, $0x38;
	[tilespmem:$0x10080] =	vst v63  }
0xd: {  	_ =	swait.ge [sflag:s10], $0x80  }
0xe: {  	[sflag:s10] =	ssyncset.done $0x0  }
0xf: {  	[sflag:s10] =	ssyncadd.s32 $0xFFFFFF80  }
0x10: {  	v1 =	vld.msk [tilespmem:$0x0], $0xff;
	_ =	sdelay $0x4  }
0x11: {  	v1 =	vshll.u32 v1, $0xC  }
0x12: {  	v1 =	vperm.xlane v1, v0;
	_ =	sdelay $0x5  }
0x13: {  	[tilespmem:s11], [sflag:$0x1] =	stream.indirect_vreg.gather [hbm4b:s1+s3], $0x1000, v1, vm0, $0x38;
	[tilespmem:$0x10080] =	vst v63  }
0x14: {  	v1 =	vld.msk [tilespmem:$0x8], $0xff;
	_ =	sdelay $0x4  }
0x15: {  	v1 =	vshll.u32 v1, $0xC  }
0x16: {  	v1 =	vperm.xlane v1, v0;
	_ =	sdelay $0x5  }
0x17: {  	[tilespmem:s12], [sflag:$0x2] =	stream.indirect_vreg.gather [hbm4b:s1+s3], $0x1000, v1, vm0, $0x38;
	[tilespmem:$0x10080] =	vst v63  }
0x18: {  	_ =	swait.ge [sflag:s13], $0x8000  }
0x19: {  	[sflag:s13] =	ssyncset.done $0x0  }
0x1a: {  	[sflag:s13] =	ssyncadd.s32 $0xFFFF8000  }
0x1b: {  	[hbm4b:s5+s3] =	stream.linear.scatter [tilespmem:s11], [sflag:$0x3], $0x8000, $0x38;
	[tilespmem:$0x10080] =	vst v63  }
0x1c: {  	_ =	swait.ge [sflag:s10], $0x8000  }
0x1d: {  	[sflag:s10] =	ssyncset.done $0x0  }
0x1e: {  	[sflag:s10] =	ssyncadd.s32 $0xFFFF8000  }
0x1f: {  	v1 =	vld.msk [tilespmem:$0x10], $0xff;
	_ =	sdelay $0x4  }
0x20: {  	v1 =	vshll.u32 v1, $0xC  }
0x21: {  	v1 =	vperm.xlane v1, v0;
	_ =	sdelay $0x5  }
0x22: {  	[tilespmem:s11], [sflag:$0x1] =	stream.indirect_vreg.gather [hbm4b:s1+s3], $0x1000, v1, vm0, $0x38;
	[tilespmem:$0x10080] =	vst v63  }
0x23: {  	_ =	swait.ge [sflag:s14], $0x8000  }
0x24: {  	[sflag:s14] =	ssyncset.done $0x0  }
0x25: {  	[sflag:s14] =	ssyncadd.s32 $0xFFFF8000  }
0x26: {  	[hbm4b:s6+s3] =	stream.linear.scatter [tilespmem:s12], [sflag:$0x3], $0x8000, $0x38;
	[tilespmem:$0x10080] =	vst v63  }
0x27: {  	_ =	swait.ge [sflag:s10], $0x8000  }
0x28: {  	[sflag:s10] =	ssyncset.done $0x0  }
0x29: {  	[sflag:s10] =	ssyncadd.s32 $0xFFFF8000  }
0x2a: {  	v1 =	vld.msk [tilespmem:$0x18], $0xff;
	_ =	sdelay $0x4  }
0x2b: {  	v1 =	vshll.u32 v1, $0xC  }
0x2c: {  	v1 =	vperm.xlane v1, v0;
	_ =	sdelay $0x5  }
0x2d: {  	[tilespmem:s12], [sflag:$0x2] =	stream.indirect_vreg.gather [hbm4b:s1+s3], $0x1000, v1, vm0, $0x38;
	[tilespmem:$0x10080] =	vst v63  }
0x2e: {  	_ =	swait.ge [sflag:s13], $0x8000  }
0x2f: {  	[sflag:s13] =	ssyncset.done $0x0  }
0x30: {  	[sflag:s13] =	ssyncadd.s32 $0xFFFF8000  }
0x31: {  	[hbm4b:s7+s3] =	stream.linear.scatter [tilespmem:s11], [sflag:$0x3], $0x8000, $0x38;
	[tilespmem:$0x10080] =	vst v63  }
0x32: {  	_ =	swait.ge [sflag:s10], $0x8000  }
0x33: {  	[sflag:s10] =	ssyncset.done $0x0  }
0x34: {  	[sflag:s10] =	ssyncadd.s32 $0xFFFF8000  }
0x35: {  	_ =	swait.ge [sflag:s14], $0x8000  }
0x36: {  	p0 =	sne.s32 s9, $0x1;
	[sflag:s14] =	ssyncset.done $0x0  }
.Ltmp0:
0x37: {  	[sflag:s14] =	ssyncadd.s32 $0xFFFF8000;
	(pc) =	sbr.rel @p0 .LBB2_1-.Ltmp0, $4  }
0x38: {  	[hbm4b:s8+s3] =	stream.linear.scatter [tilespmem:s12], [sflag:$0x3], $0x8000, $0x38;
	[tilespmem:$0x10080] =	vst v63  }
0x39: {  	_ =	swait.ge [sflag:s10], $0x8000  }
0x3a: {  	[sflag:s10] =	ssyncset.done $0x0  }
0x3b: {  	s9 =	sadd.s32 $0xFFFFFFFF, s9;
	[sflag:s10] =	ssyncadd.s32 $0xFFFF8000  }
0x3c: {  	_ =	sfence.sel $0x180000  }
0x3d: {  	[bflag:$0x0] =	sbarrier.arrive $0xFFFF  }
0x3e: {  	p0 =	sne.s32 s2, $0x0;
	_ =	strace $0x90000047  }
0x3f: {  	s0 =	sadd.s32 @!p0 $0x100000, s0;
	[bflag:$0x2] =	sbarrier.arrive $0xFFFF  }
0x40: {  	[sflag:s0] =	ssyncadd.tile.s32 @!p0 $0x1;
	_ =	shalt  }
.Lfunc_end2:
_tile_overlayer_lowered:
.L_overlay_start_2:
0x41: {  	(tag) =	ssettag $0x2  }
0x42: {  	s0 =	rddreg [dreg:$0x0];
	s2 =	stileid.u32  }
0x43: {  	s1 =	rddreg [dreg:$0x1];
	p0 =	sne.s32 s2, $0x0  }
0x44: {  	s3 =	rddreg [dreg:$0x2];
	[bflag:$0x3] =	sbarrier.arrive $0xFFFF;
	s2 =	simm.s32 @!p0 $0x1C03  }
0x45: {  	[timem:s3], [sflag:s2] =	dma.local @!p0 [hbm:s0], s1  }
0x46: {  	s0 =	simm.s32 @!p0 $0x3  }
0x47: {  	_ =	swait.ge @!p0 [sflag:s0], s1  }
0x48: {  	s1 =	ssub.s32 @!p0 $0x0, s1;
	[sflag:s0] =	ssyncset.done @!p0 $0x0  }
0x49: {  	[sflag:s0] =	ssyncadd.s32 @!p0 s1  }
0x4a: {  	[bflag:$0x3] =	sbarrier.arrive $0xFFFF  }
0x4b: {  	_ =	shalt  }

</sc_bundles>
